<compile_context>
chip_gen: v7x
topology: tpu7x:2x2x1
jax: 0.10.2.dev20260603
libtpu: 0.0.44.dev20260713+nightly
codegen_flags: <defaults>
</compile_context>

<pallas_src>
import functools

import jax
import jax.numpy as jnp
from jax import lax
from jax.experimental import pallas as pl
from jax.experimental.pallas import tpu as pltpu
from jax.experimental.pallas import tpu_sc as plsc

D = 64
DP = 128
NW = 32
HALF_A = 104
HALF_B = 96
NBUF = 4
TBLK = 16384


def _transpose_pad(tokT):
    V = tokT.shape[1]
    grid = (V + TBLK - 1) // TBLK

    def body(in_ref, out_ref):
        t = jnp.transpose(in_ref[...], (1, 0))
        out_ref[:, 0:D] = t

    return pl.pallas_call(
        body,
        grid=grid,
        in_specs=[pl.BlockSpec((D, TBLK), lambda g: (0, g))],
        out_specs=pl.BlockSpec((TBLK, DP), lambda g: (g, 0)),
        out_shape=jax.ShapeDtypeStruct((V, DP), jnp.float32),
    )(tokT)


@jax.jit
def kernel(x, token_table, pos_table):
    B, S = x.shape
    assert S == HALF_A + HALF_B and D == token_table.shape[1]
    spw = B // NW
    assert spw * NW == B and spw % NBUF == 0

    tok128 = _transpose_pad(token_table.T)

    mesh = plsc.VectorSubcoreMesh(core_axis_name="c", subcore_axis_name="s")

    @functools.partial(
        pl.kernel,
        out_type=jax.ShapeDtypeStruct((B, S, DP), jnp.float32),
        mesh=mesh,
        compiler_params=pltpu.CompilerParams(use_tc_tiling_on_sc=False),
        scratch_types=[
            pltpu.VMEM((spw, S), jnp.int32),
            pltpu.VMEM_SHARED((S, D), jnp.float32),
            pltpu.VMEM((NBUF, S, DP), jnp.float32),
        ] + [pltpu.SemaphoreType.DMA] * (3 * NBUF),
    )
    def embed(x_hbm, tok_hbm, pos_hbm, out_hbm,
              idx_v, pos_sh, rows_v, *sems):
        wid = lax.axis_index("s") * 2 + lax.axis_index("c")
        seq0 = wid * spw
        isems = sems[:NBUF]
        osems = sems[NBUF:2 * NBUF]
        gsems = sems[2 * NBUF:3 * NBUF]

        @pl.when(lax.axis_index("s") == 0)
        def _():
            pltpu.sync_copy(pos_hbm, pos_sh)

        pltpu.sync_copy(x_hbm.at[pl.ds(seq0, spw)], idx_v)
        plsc.subcore_barrier()

        pltpu.async_copy(pos_sh, rows_v.at[0, :, pl.ds(0, D)], isems[0])

        def thin(slot):
            return rows_v.at[slot, :, pl.ds(0, D)]

        def out_thin(j):
            return out_hbm.at[seq0 + j, :, pl.ds(0, D)]

        def gwait(j, slot):
            buf = rows_v.at[slot]
            pltpu.make_async_copy(
                tok_hbm.at[idx_v.at[j, pl.ds(0, HALF_A)]],
                buf.at[pl.ds(0, HALF_A)], gsems[slot]).wait()
            pltpu.make_async_copy(
                tok_hbm.at[idx_v.at[j, pl.ds(HALF_A, HALF_B)]],
                buf.at[pl.ds(HALF_A, HALF_B)], gsems[slot]).wait()
            pltpu.async_copy(thin(slot), out_thin(j), osems[slot])

        def step(j, slot):
            buf = rows_v.at[slot]
            nslot = (slot + 1) % NBUF
            pltpu.make_async_copy(pos_sh, thin(slot), isems[slot]).wait()
            pltpu.async_copy(
                tok_hbm.at[idx_v.at[j, pl.ds(0, HALF_A)]],
                buf.at[pl.ds(0, HALF_A)], gsems[slot], add=True)
            pltpu.async_copy(
                tok_hbm.at[idx_v.at[j, pl.ds(HALF_A, HALF_B)]],
                buf.at[pl.ds(HALF_A, HALF_B)], gsems[slot], add=True)

            @pl.when(j >= 1)
            def _():
                gwait(j - 1, (slot - 1) % NBUF)

            @pl.when(j + 1 < spw)
            def _():
                @pl.when(j + 1 >= NBUF)
                def _():
                    pltpu.make_async_copy(thin(nslot), out_thin(j),
                                          osems[nslot]).wait()
                pltpu.async_copy(pos_sh, thin(nslot), isems[nslot])

        def outer(g, carry):
            for b in range(NBUF):
                step(g * NBUF + b, b)
            return carry

        lax.fori_loop(0, spw // NBUF, outer, 0)
        gwait(spw - 1, (spw - 1) % NBUF)
        for j in range(spw - NBUF, spw):
            pltpu.make_async_copy(
                thin(j % NBUF), out_thin(j), osems[j % NBUF]
            ).wait()

    out128 = embed(x, tok128, pos_table)
    return out128[:, :, :D]

# --- scband reference (transcript-rebuilt; emitter-appended) ---
"""Pipeline reference for scband-token-and-position-embedding-69286412419613 (READ-ONLY COPY).

The authoritative reference and input builder live on the scoring server;
editing this copy changes nothing except your own understanding.
"""

import jax, jax.numpy as jnp
import numpy as np

VOCAB = 1000000
MAX_SEQ = 200
EMBED = 64
BATCH = 4096

def setup_inputs(seed: int = 0) -> dict:
    key = jax.random.key(seed)
    k1, k2, k3 = jax.random.split(key, 3)
    x = jax.random.randint(k1, (BATCH, MAX_SEQ), 0, VOCAB, dtype=jnp.int64 if jax.config.jax_enable_x64 else jnp.int32)
    token_table = jax.random.normal(k2, (VOCAB, EMBED), dtype=jnp.float32) * 0.02
    pos_table = jax.random.normal(k3, (MAX_SEQ, EMBED), dtype=jnp.float32) * 0.02
    return {"x": x, "token_table": token_table, "pos_table": pos_table}

def reference(x, token_table, pos_table):
    # token embedding lookup: gather rows of token_table by ids
    tok = jnp.take(token_table, x, axis=0)  # [B, S, D]
    # position embedding: positions 0..S-1
    seq_len = x.shape[-1]
    positions = jnp.arange(seq_len)
    pos = jnp.take(pos_table, positions, axis=0)  # [S, D]
    return tok + pos[None, :, :]

if __name__ == "__main__":
    import jax
    _d = setup_inputs()
    print(jax.jit(kernel)(*tuple(_d.values())))

</pallas_src>

<mosaic_0001>
#map = affine_map<(d0, d1) -> (0, 0)>
#map1 = affine_map<(d0, d1) -> (0, 0, 0)>
module attributes {stable_mosaic.version = 14 : i64} {
  func.func @embed(%arg0: i32, %arg1: i32, %arg2: memref<4096x200xi32, #tpu.memory_space<hbm>>, %arg3: memref<1000000x128xf32, #tpu.memory_space<hbm>>, %arg4: memref<200x64xf32, #tpu.memory_space<hbm>>, %arg5: memref<4096x200x128xf32, #tpu.memory_space<hbm>>, %arg6: memref<128x200xi32, #tpu.memory_space<vmem>>, %arg7: memref<200x64xf32, #tpu.memory_space<vmem_shared>>, %arg8: memref<4x200x128xf32, #tpu.memory_space<vmem>>, %arg9: memref<!tpu.dma_semaphore, #tpu.memory_space<semaphore_mem>>, %arg10: memref<!tpu.dma_semaphore, #tpu.memory_space<semaphore_mem>>, %arg11: memref<!tpu.dma_semaphore, #tpu.memory_space<semaphore_mem>>, %arg12: memref<!tpu.dma_semaphore, #tpu.memory_space<semaphore_mem>>, %arg13: memref<!tpu.dma_semaphore, #tpu.memory_space<semaphore_mem>>, %arg14: memref<!tpu.dma_semaphore, #tpu.memory_space<semaphore_mem>>, %arg15: memref<!tpu.dma_semaphore, #tpu.memory_space<semaphore_mem>>, %arg16: memref<!tpu.dma_semaphore, #tpu.memory_space<semaphore_mem>>, %arg17: memref<!tpu.dma_semaphore, #tpu.memory_space<semaphore_mem>>, %arg18: memref<!tpu.dma_semaphore, #tpu.memory_space<semaphore_mem>>, %arg19: memref<!tpu.dma_semaphore, #tpu.memory_space<semaphore_mem>>, %arg20: memref<!tpu.dma_semaphore, #tpu.memory_space<semaphore_mem>>) attributes {dimension_semantics = [#tpu.dimension_semantics<core_parallel>, #tpu.dimension_semantics<subcore_parallel>], iteration_bounds = array<i64: 2, 16>, scalar_prefetch = 0 : i64, scratch_operands = 15 : i64, tpu.core_type = #tpu.core_type<sc_vector_subcore>, window_params = [{transform_indices = #map}, {transform_indices = #map}, {transform_indices = #map}, {transform_indices = #map1}]} {
    %mul3A = arith.constant 2 : i32
    %mul3A_0 = arith.muli %arg1, %mul3A : i32
    %add3A = arith.addi %mul3A_0, %arg0 : i32
    %mul3A_1 = arith.constant 128 : i32
    %mul3A_2 = arith.muli %add3A, %mul3A_1 : i32
    %eq3A = arith.constant 0 : i32
    %eq3A_3 = arith.cmpi eq, %arg1, %eq3A : i32
    %convert_element_type3A = arith.extui %eq3A_3 : i1 to i32
    %cond3A = arith.constant 0 : i32
    %cond3A_4 = arith.cmpi ne, %convert_element_type3A, %cond3A : i32
    scf.if %cond3A_4 {
      "tpu.region"() ({
        %run_scoped3A = tpu.sem_alloc : memref<!tpu.dma_semaphore, #tpu.memory_space<semaphore_mem>>
        tpu.enqueue_dma source(%arg4 : memref<200x64xf32, #tpu.memory_space<hbm>>) target(%arg7 : memref<200x64xf32, #tpu.memory_space<vmem_shared>>) target_semaphore(%run_scoped3A : memref<!tpu.dma_semaphore, #tpu.memory_space<semaphore_mem>>)
        tpu.wait_dma2 semaphore(%run_scoped3A : memref<!tpu.dma_semaphore, #tpu.memory_space<semaphore_mem>>) src(%arg4 : memref<200x64xf32, #tpu.memory_space<hbm>>) dst(%arg7 : memref<200x64xf32, #tpu.memory_space<vmem_shared>>)
        tpu.yield
      }) : () -> ()
    } else {
    }
    "tpu.region"() ({
      %run_scoped3A = tpu.sem_alloc : memref<!tpu.dma_semaphore, #tpu.memory_space<semaphore_mem>>
      %dma_start3A_142 = arith.constant 0 : i32
      %dma_start3A_143 = tpu.memref_slice %arg2[%mul3A_2, %dma_start3A_142] : memref<4096x200xi32, #tpu.memory_space<hbm>> -> memref<128x200xi32, #tpu.memory_space<hbm>>
      %dma_start3A_144 = arith.constant 0 : i32
      %dma_start3A_145 = tpu.memref_slice %arg2[%mul3A_2, %dma_start3A_144] : memref<4096x200xi32, #tpu.memory_space<hbm>> -> memref<128x200xi32, #tpu.memory_space<hbm>>
      tpu.enqueue_dma source(%dma_start3A_145 : memref<128x200xi32, #tpu.memory_space<hbm>>) target(%arg6 : memref<128x200xi32, #tpu.memory_space<vmem>>) target_semaphore(%run_scoped3A : memref<!tpu.dma_semaphore, #tpu.memory_space<semaphore_mem>>)
      %dma_wait3A_146 = arith.constant 0 : i32
      %dma_wait3A_147 = tpu.memref_slice %arg2[%mul3A_2, %dma_wait3A_146] : memref<4096x200xi32, #tpu.memory_space<hbm>> -> memref<128x200xi32, #tpu.memory_space<hbm>>
      %dma_wait3A_148 = arith.constant 0 : i32
      %dma_wait3A_149 = tpu.memref_slice %arg2[%mul3A_2, %dma_wait3A_148] : memref<4096x200xi32, #tpu.memory_space<hbm>> -> memref<128x200xi32, #tpu.memory_space<hbm>>
      tpu.wait_dma2 semaphore(%run_scoped3A : memref<!tpu.dma_semaphore, #tpu.memory_space<semaphore_mem>>) src(%dma_wait3A_149 : memref<128x200xi32, #tpu.memory_space<hbm>>) dst(%arg6 : memref<128x200xi32, #tpu.memory_space<vmem>>)
      tpu.yield
    }) : () -> ()
    %barrier3A = arith.constant 0 : index
    tpu.barrier barrier_id(%barrier3A)
    %dma_start3A = arith.constant 0 : i32
    %dma_start3A_5 = arith.constant 0 : i32
    %dma_start3A_6 = arith.constant 0 : i32
    %dma_start3A_7 = tpu.memref_slice %arg8[%dma_start3A, %dma_start3A_5, %dma_start3A_6] : memref<4x200x128xf32, #tpu.memory_space<vmem>> -> memref<1x200x64xf32, #tpu.memory_space<vmem>>
    %dma_start3A_8 = tpu.memref_squeeze %dma_start3A_7 : memref<1x200x64xf32, #tpu.memory_space<vmem>> -> memref<200x64xf32, #tpu.memory_space<vmem>>
    %dma_start3A_9 = arith.constant 0 : i32
    %dma_start3A_10 = arith.constant 0 : i32
    %dma_start3A_11 = tpu.memref_slice %arg8[%dma_start3A, %dma_start3A_9, %dma_start3A_10] : memref<4x200x128xf32, #tpu.memory_space<vmem>> -> memref<1x200x64xf32, #tpu.memory_space<vmem>>
    %dma_start3A_12 = tpu.memref_squeeze %dma_start3A_11 : memref<1x200x64xf32, #tpu.memory_space<vmem>> -> memref<200x64xf32, #tpu.memory_space<vmem>>
    tpu.enqueue_dma source(%arg7 : memref<200x64xf32, #tpu.memory_space<vmem_shared>>) target(%dma_start3A_12 : memref<200x64xf32, #tpu.memory_space<vmem>>) target_semaphore(%arg9 : memref<!tpu.dma_semaphore, #tpu.memory_space<semaphore_mem>>)
    %scan3A = arith.constant 0 : i32
    %scan3A_13 = arith.constant 0 : i32
    %scan3A_14 = arith.constant 32 : i32
    %scan3A_15 = arith.addi %scan3A_13, %scan3A_14 : i32
    %scan3A_16 = arith.constant 1 : i32
    scf.for %scan3A_142 = %scan3A_13 to %scan3A_15 step %scan3A_16  : i32 {
      %mul3A_143 = arith.constant 4 : i32
      %mul3A_144 = arith.muli %scan3A_142, %mul3A_143 : i32
      %add3A_145 = arith.constant 0 : i32
      %add3A_146 = arith.addi %mul3A_144, %add3A_145 : i32
      %dma_wait3A_147 = arith.constant 0 : i32
      %dma_wait3A_148 = arith.constant 0 : i32
      %dma_wait3A_149 = arith.constant 0 : i32
      %dma_wait3A_150 = tpu.memref_slice %arg8[%dma_wait3A_147, %dma_wait3A_148, %dma_wait3A_149] : memref<4x200x128xf32, #tpu.memory_space<vmem>> -> memref<1x200x64xf32, #tpu.memory_space<vmem>>
      %dma_wait3A_151 = tpu.memref_squeeze %dma_wait3A_150 : memref<1x200x64xf32, #tpu.memory_space<vmem>> -> memref<200x64xf32, #tpu.memory_space<vmem>>
      %dma_wait3A_152 = arith.constant 0 : i32
      %dma_wait3A_153 = arith.constant 0 : i32
      %dma_wait3A_154 = tpu.memref_slice %arg8[%dma_wait3A_147, %dma_wait3A_152, %dma_wait3A_153] : memref<4x200x128xf32, #tpu.memory_space<vmem>> -> memref<1x200x64xf32, #tpu.memory_space<vmem>>
      %dma_wait3A_155 = tpu.memref_squeeze %dma_wait3A_154 : memref<1x200x64xf32, #tpu.memory_space<vmem>> -> memref<200x64xf32, #tpu.memory_space<vmem>>
      tpu.wait_dma2 semaphore(%arg9 : memref<!tpu.dma_semaphore, #tpu.memory_space<semaphore_mem>>) src(%arg7 : memref<200x64xf32, #tpu.memory_space<vmem_shared>>) dst(%dma_wait3A_155 : memref<200x64xf32, #tpu.memory_space<vmem>>)
      %dma_start3A_156 = arith.constant 0 : i32
      %dma_start3A_157 = arith.constant 0 : i32
      %dma_start3A_158 = arith.constant 0 : i32
      %dma_start3A_159 = tpu.memref_slice %arg8[%dma_start3A_156, %dma_start3A_157, %dma_start3A_158] : memref<4x200x128xf32, #tpu.memory_space<vmem>> -> memref<1x200x128xf32, #tpu.memory_space<vmem>>
      %dma_start3A_160 = tpu.memref_squeeze %dma_start3A_159 : memref<1x200x128xf32, #tpu.memory_space<vmem>> -> memref<200x128xf32, #tpu.memory_space<vmem>>
      %dma_start3A_161 = arith.constant 0 : i32
      %dma_start3A_162 = arith.constant 0 : i32
      %dma_start3A_163 = tpu.memref_slice %dma_start3A_160[%dma_start3A_161, %dma_start3A_162] : memref<200x128xf32, #tpu.memory_space<vmem>> -> memref<104x128xf32, #tpu.memory_space<vmem>>
      %dma_start3A_164 = arith.constant 0 : i32
      %dma_start3A_165 = tpu.memref_slice %arg6[%add3A_146, %dma_start3A_164] : memref<128x200xi32, #tpu.memory_space<vmem>> -> memref<1x104xi32, #tpu.memory_space<vmem>>
      %dma_start3A_166 = tpu.memref_squeeze %dma_start3A_165 : memref<1x104xi32, #tpu.memory_space<vmem>> -> memref<104xi32, #tpu.memory_space<vmem>>
      %dma_start3A_167 = arith.constant 0 : i32
      %dma_start3A_168 = arith.constant 0 : i32
      %dma_start3A_169 = tpu.memref_slice %arg3[%dma_start3A_167, %dma_start3A_168] : memref<1000000x128xf32, #tpu.memory_space<hbm>> -> memref<1000000x128xf32, #tpu.memory_space<hbm>>
      tpu.enqueue_indirect_dma source(%dma_start3A_169 : memref<1000000x128xf32, #tpu.memory_space<hbm>>) target(%dma_start3A_163 : memref<104x128xf32, #tpu.memory_space<vmem>>) offsets(%dma_start3A_166 : memref<104xi32, #tpu.memory_space<vmem>>) semaphore(%arg17 : memref<!tpu.dma_semaphore, #tpu.memory_space<semaphore_mem>>) {add = true}
      %dma_start3A_170 = arith.constant 0 : i32
      %dma_start3A_171 = arith.constant 0 : i32
      %dma_start3A_172 = arith.constant 0 : i32
      %dma_start3A_173 = tpu.memref_slice %arg8[%dma_start3A_170, %dma_start3A_171, %dma_start3A_172] : memref<4x200x128xf32, #tpu.memory_space<vmem>> -> memref<1x200x128xf32, #tpu.memory_space<vmem>>
      %dma_start3A_174 = tpu.memref_squeeze %dma_start3A_173 : memref<1x200x128xf32, #tpu.memory_space<vmem>> -> memref<200x128xf32, #tpu.memory_space<vmem>>
      %dma_start3A_175 = arith.constant 104 : i32
      %dma_start3A_176 = arith.constant 0 : i32
      %dma_start3A_177 = tpu.memref_slice %dma_start3A_174[%dma_start3A_175, %dma_start3A_176] : memref<200x128xf32, #tpu.memory_space<vmem>> -> memref<96x128xf32, #tpu.memory_space<vmem>>
      %dma_start3A_178 = arith.constant 104 : i32
      %dma_start3A_179 = tpu.memref_slice %arg6[%add3A_146, %dma_start3A_178] : memref<128x200xi32, #tpu.memory_space<vmem>> -> memref<1x96xi32, #tpu.memory_space<vmem>>
      %dma_start3A_180 = tpu.memref_squeeze %dma_start3A_179 : memref<1x96xi32, #tpu.memory_space<vmem>> -> memref<96xi32, #tpu.memory_space<vmem>>
      %dma_start3A_181 = arith.constant 0 : i32
      %dma_start3A_182 = arith.constant 0 : i32
      %dma_start3A_183 = tpu.memref_slice %arg3[%dma_start3A_181, %dma_start3A_182] : memref<1000000x128xf32, #tpu.memory_space<hbm>> -> memref<1000000x128xf32, #tpu.memory_space<hbm>>
      tpu.enqueue_indirect_dma source(%dma_start3A_183 : memref<1000000x128xf32, #tpu.memory_space<hbm>>) target(%dma_start3A_177 : memref<96x128xf32, #tpu.memory_space<vmem>>) offsets(%dma_start3A_180 : memref<96xi32, #tpu.memory_space<vmem>>) semaphore(%arg17 : memref<!tpu.dma_semaphore, #tpu.memory_space<semaphore_mem>>) {add = true}
      %ge3A = arith.constant 1 : i32
      %ge3A_184 = arith.cmpi sge, %add3A_146, %ge3A : i32
      %convert_element_type3A_185 = arith.extui %ge3A_184 : i1 to i32
      %cond3A_186 = arith.constant 0 : i32
      %cond3A_187 = arith.cmpi ne, %convert_element_type3A_185, %cond3A_186 : i32
      scf.if %cond3A_187 {
        %sub3A = arith.constant 1 : i32
        %sub3A_353 = arith.subi %add3A_146, %sub3A : i32
        %dma_wait3A_354 = arith.constant 3 : i32
        %dma_wait3A_355 = arith.constant 0 : i32
        %dma_wait3A_356 = arith.constant 0 : i32
        %dma_wait3A_357 = tpu.memref_slice %arg8[%dma_wait3A_354, %dma_wait3A_355, %dma_wait3A_356] : memref<4x200x128xf32, #tpu.memory_space<vmem>> -> memref<1x200x128xf32, #tpu.memory_space<vmem>>
        %dma_wait3A_358 = tpu.memref_squeeze %dma_wait3A_357 : memref<1x200x128xf32, #tpu.memory_space<vmem>> -> memref<200x128xf32, #tpu.memory_space<vmem>>
        %dma_wait3A_359 = arith.constant 0 : i32
        %dma_wait3A_360 = arith.constant 0 : i32
        %dma_wait3A_361 = tpu.memref_slice %dma_wait3A_358[%dma_wait3A_359, %dma_wait3A_360] : memref<200x128xf32, #tpu.memory_space<vmem>> -> memref<104x128xf32, #tpu.memory_space<vmem>>
        %dma_wait3A_362 = arith.constant 0 : i32
        %dma_wait3A_363 = tpu.memref_slice %arg6[%sub3A_353, %dma_wait3A_362] : memref<128x200xi32, #tpu.memory_space<vmem>> -> memref<1x104xi32, #tpu.memory_space<vmem>>
        %dma_wait3A_364 = tpu.memref_squeeze %dma_wait3A_363 : memref<1x104xi32, #tpu.memory_space<vmem>> -> memref<104xi32, #tpu.memory_space<vmem>>
        %dma_wait3A_365 = arith.constant 0 : i32
        %dma_wait3A_366 = arith.constant 0 : i32
        %dma_wait3A_367 = tpu.memref_slice %arg3[%dma_wait3A_365, %dma_wait3A_366] : memref<1000000x128xf32, #tpu.memory_space<hbm>> -> memref<1000000x128xf32, #tpu.memory_space<hbm>>
        tpu.wait_indirect_dma semaphore(%arg20 : memref<!tpu.dma_semaphore, #tpu.memory_space<semaphore_mem>>) src(%dma_wait3A_367 : memref<1000000x128xf32, #tpu.memory_space<hbm>>) dst(%dma_wait3A_361 : memref<104x128xf32, #tpu.memory_space<vmem>>)
        %dma_wait3A_368 = arith.constant 3 : i32
        %dma_wait3A_369 = arith.constant 0 : i32
        %dma_wait3A_370 = arith.constant 0 : i32
        %dma_wait3A_371 = tpu.memref_slice %arg8[%dma_wait3A_368, %dma_wait3A_369, %dma_wait3A_370] : memref<4x200x128xf32, #tpu.memory_space<vmem>> -> memref<1x200x128xf32, #tpu.memory_space<vmem>>
        %dma_wait3A_372 = tpu.memref_squeeze %dma_wait3A_371 : memref<1x200x128xf32, #tpu.memory_space<vmem>> -> memref<200x128xf32, #tpu.memory_space<vmem>>
        %dma_wait3A_373 = arith.constant 104 : i32
        %dma_wait3A_374 = arith.constant 0 : i32
        %dma_wait3A_375 = tpu.memref_slice %dma_wait3A_372[%dma_wait3A_373, %dma_wait3A_374] : memref<200x128xf32, #tpu.memory_space<vmem>> -> memref<96x128xf32, #tpu.memory_space<vmem>>
        %dma_wait3A_376 = arith.constant 104 : i32
        %dma_wait3A_377 = tpu.memref_slice %arg6[%sub3A_353, %dma_wait3A_376] : memref<128x200xi32, #tpu.memory_space<vmem>> -> memref<1x96xi32, #tpu.memory_space<vmem>>
        %dma_wait3A_378 = tpu.memref_squeeze %dma_wait3A_377 : memref<1x96xi32, #tpu.memory_space<vmem>> -> memref<96xi32, #tpu.memory_space<vmem>>
        %dma_wait3A_379 = arith.constant 0 : i32
        %dma_wait3A_380 = arith.constant 0 : i32
        %dma_wait3A_381 = tpu.memref_slice %arg3[%dma_wait3A_379, %dma_wait3A_380] : memref<1000000x128xf32, #tpu.memory_space<hbm>> -> memref<1000000x128xf32, #tpu.memory_space<hbm>>
        tpu.wait_indirect_dma semaphore(%arg20 : memref<!tpu.dma_semaphore, #tpu.memory_space<semaphore_mem>>) src(%dma_wait3A_381 : memref<1000000x128xf32, #tpu.memory_space<hbm>>) dst(%dma_wait3A_375 : memref<96x128xf32, #tpu.memory_space<vmem>>)
        %add3A_382 = arith.addi %mul3A_2, %sub3A_353 : i32
        %dma_start3A_383 = arith.constant 3 : i32
        %dma_start3A_384 = arith.constant 0 : i32
        %dma_start3A_385 = arith.constant 0 : i32
        %dma_start3A_386 = tpu.memref_slice %arg8[%dma_start3A_383, %dma_start3A_384, %dma_start3A_385] : memref<4x200x128xf32, #tpu.memory_space<vmem>> -> memref<1x200x64xf32, #tpu.memory_space<vmem>>
        %dma_start3A_387 = tpu.memref_squeeze %dma_start3A_386 : memref<1x200x64xf32, #tpu.memory_space<vmem>> -> memref<200x64xf32, #tpu.memory_space<vmem>>
        %dma_start3A_388 = arith.constant 0 : i32
        %dma_start3A_389 = arith.constant 0 : i32
        %dma_start3A_390 = tpu.memref_slice %arg5[%add3A_382, %dma_start3A_388, %dma_start3A_389] : memref<4096x200x128xf32, #tpu.memory_space<hbm>> -> memref<1x200x64xf32, #tpu.memory_space<hbm>>
        %dma_start3A_391 = tpu.memref_squeeze %dma_start3A_390 : memref<1x200x64xf32, #tpu.memory_space<hbm>> -> memref<200x64xf32, #tpu.memory_space<hbm>>
        %dma_start3A_392 = arith.constant 0 : i32
        %dma_start3A_393 = arith.constant 0 : i32
        %dma_start3A_394 = tpu.memref_slice %arg5[%add3A_382, %dma_start3A_392, %dma_start3A_393] : memref<4096x200x128xf32, #tpu.memory_space<hbm>> -> memref<1x200x64xf32, #tpu.memory_space<hbm>>
        %dma_start3A_395 = tpu.memref_squeeze %dma_start3A_394 : memref<1x200x64xf32, #tpu.memory_space<hbm>> -> memref<200x64xf32, #tpu.memory_space<hbm>>
        %dma_start3A_396 = arith.constant 0 : i32
        %dma_start3A_397 = arith.constant 0 : i32
        %dma_start3A_398 = tpu.memref_slice %arg8[%dma_start3A_383, %dma_start3A_396, %dma_start3A_397] : memref<4x200x128xf32, #tpu.memory_space<vmem>> -> memref<1x200x64xf32, #tpu.memory_space<vmem>>
        %dma_start3A_399 = tpu.memref_squeeze %dma_start3A_398 : memref<1x200x64xf32, #tpu.memory_space<vmem>> -> memref<200x64xf32, #tpu.memory_space<vmem>>
        tpu.enqueue_dma source(%dma_start3A_399 : memref<200x64xf32, #tpu.memory_space<vmem>>) target(%dma_start3A_395 : memref<200x64xf32, #tpu.memory_space<hbm>>) target_semaphore(%arg16 : memref<!tpu.dma_semaphore, #tpu.memory_space<semaphore_mem>>)
      } else {
      }
      %add3A_188 = arith.constant 1 : i32
      %add3A_189 = arith.addi %add3A_146, %add3A_188 : i32
      %lt3A = arith.constant 128 : i32
      %lt3A_190 = arith.cmpi slt, %add3A_189, %lt3A : i32
      %convert_element_type3A_191 = arith.extui %lt3A_190 : i1 to i32
      %cond3A_192 = arith.constant 0 : i32
      %cond3A_193 = arith.cmpi ne, %convert_element_type3A_191, %cond3A_192 : i32
      scf.if %cond3A_193 {
        %add3A_353 = arith.constant 1 : i32
        %add3A_354 = arith.addi %add3A_146, %add3A_353 : i32
        %ge3A_355 = arith.constant 4 : i32
        %ge3A_356 = arith.cmpi sge, %add3A_354, %ge3A_355 : i32
        %convert_element_type3A_357 = arith.extui %ge3A_356 : i1 to i32
        %cond3A_358 = arith.constant 0 : i32
        %cond3A_359 = arith.cmpi ne, %convert_element_type3A_357, %cond3A_358 : i32
        scf.if %cond3A_359 {
          %add3A_369 = arith.addi %mul3A_2, %add3A_146 : i32
          %dma_wait3A_370 = arith.constant 1 : i32
          %dma_wait3A_371 = arith.constant 0 : i32
          %dma_wait3A_372 = arith.constant 0 : i32
          %dma_wait3A_373 = tpu.memref_slice %arg8[%dma_wait3A_370, %dma_wait3A_371, %dma_wait3A_372] : memref<4x200x128xf32, #tpu.memory_space<vmem>> -> memref<1x200x64xf32, #tpu.memory_space<vmem>>
          %dma_wait3A_374 = tpu.memref_squeeze %dma_wait3A_373 : memref<1x200x64xf32, #tpu.memory_space<vmem>> -> memref<200x64xf32, #tpu.memory_space<vmem>>
          %dma_wait3A_375 = arith.constant 0 : i32
          %dma_wait3A_376 = arith.constant 0 : i32
          %dma_wait3A_377 = tpu.memref_slice %arg5[%add3A_369, %dma_wait3A_375, %dma_wait3A_376] : memref<4096x200x128xf32, #tpu.memory_space<hbm>> -> memref<1x200x64xf32, #tpu.memory_space<hbm>>
          %dma_wait3A_378 = tpu.memref_squeeze %dma_wait3A_377 : memref<1x200x64xf32, #tpu.memory_space<hbm>> -> memref<200x64xf32, #tpu.memory_space<hbm>>
          %dma_wait3A_379 = arith.constant 0 : i32
          %dma_wait3A_380 = arith.constant 0 : i32
          %dma_wait3A_381 = tpu.memref_slice %arg5[%add3A_369, %dma_wait3A_379, %dma_wait3A_380] : memref<4096x200x128xf32, #tpu.memory_space<hbm>> -> memref<1x200x64xf32, #tpu.memory_space<hbm>>
          %dma_wait3A_382 = tpu.memref_squeeze %dma_wait3A_381 : memref<1x200x64xf32, #tpu.memory_space<hbm>> -> memref<200x64xf32, #tpu.memory_space<hbm>>
          %dma_wait3A_383 = arith.constant 0 : i32
          %dma_wait3A_384 = arith.constant 0 : i32
          %dma_wait3A_385 = tpu.memref_slice %arg8[%dma_wait3A_370, %dma_wait3A_383, %dma_wait3A_384] : memref<4x200x128xf32, #tpu.memory_space<vmem>> -> memref<1x200x64xf32, #tpu.memory_space<vmem>>
          %dma_wait3A_386 = tpu.memref_squeeze %dma_wait3A_385 : memref<1x200x64xf32, #tpu.memory_space<vmem>> -> memref<200x64xf32, #tpu.memory_space<vmem>>
          tpu.wait_dma2 semaphore(%arg14 : memref<!tpu.dma_semaphore, #tpu.memory_space<semaphore_mem>>) src(%dma_wait3A_386 : memref<200x64xf32, #tpu.memory_space<vmem>>) dst(%dma_wait3A_382 : memref<200x64xf32, #tpu.memory_space<hbm>>)
        } else {
        }
        %dma_start3A_360 = arith.constant 1 : i32
        %dma_start3A_361 = arith.constant 0 : i32
        %dma_start3A_362 = arith.constant 0 : i32
        %dma_start3A_363 = tpu.memref_slice %arg8[%dma_start3A_360, %dma_start3A_361, %dma_start3A_362] : memref<4x200x128xf32, #tpu.memory_space<vmem>> -> memref<1x200x64xf32, #tpu.memory_space<vmem>>
        %dma_start3A_364 = tpu.memref_squeeze %dma_start3A_363 : memref<1x200x64xf32, #tpu.memory_space<vmem>> -> memref<200x64xf32, #tpu.memory_space<vmem>>
        %dma_start3A_365 = arith.constant 0 : i32
        %dma_start3A_366 = arith.constant 0 : i32
        %dma_start3A_367 = tpu.memref_slice %arg8[%dma_start3A_360, %dma_start3A_365, %dma_start3A_366] : memref<4x200x128xf32, #tpu.memory_space<vmem>> -> memref<1x200x64xf32, #tpu.memory_space<vmem>>
        %dma_start3A_368 = tpu.memref_squeeze %dma_start3A_367 : memref<1x200x64xf32, #tpu.memory_space<vmem>> -> memref<200x64xf32, #tpu.memory_space<vmem>>
        tpu.enqueue_dma source(%arg7 : memref<200x64xf32, #tpu.memory_space<vmem_shared>>) target(%dma_start3A_368 : memref<200x64xf32, #tpu.memory_space<vmem>>) target_semaphore(%arg10 : memref<!tpu.dma_semaphore, #tpu.memory_space<semaphore_mem>>)
      } else {
      }
      %mul3A_194 = arith.constant 4 : i32
      %mul3A_195 = arith.muli %scan3A_142, %mul3A_194 : i32
      %add3A_196 = arith.constant 1 : i32
      %add3A_197 = arith.addi %mul3A_195, %add3A_196 : i32
      %dma_wait3A_198 = arith.constant 1 : i32
      %dma_wait3A_199 = arith.constant 0 : i32
      %dma_wait3A_200 = arith.constant 0 : i32
      %dma_wait3A_201 = tpu.memref_slice %arg8[%dma_wait3A_198, %dma_wait3A_199, %dma_wait3A_200] : memref<4x200x128xf32, #tpu.memory_space<vmem>> -> memref<1x200x64xf32, #tpu.memory_space<vmem>>
      %dma_wait3A_202 = tpu.memref_squeeze %dma_wait3A_201 : memref<1x200x64xf32, #tpu.memory_space<vmem>> -> memref<200x64xf32, #tpu.memory_space<vmem>>
      %dma_wait3A_203 = arith.constant 0 : i32
      %dma_wait3A_204 = arith.constant 0 : i32
      %dma_wait3A_205 = tpu.memref_slice %arg8[%dma_wait3A_198, %dma_wait3A_203, %dma_wait3A_204] : memref<4x200x128xf32, #tpu.memory_space<vmem>> -> memref<1x200x64xf32, #tpu.memory_space<vmem>>
      %dma_wait3A_206 = tpu.memref_squeeze %dma_wait3A_205 : memref<1x200x64xf32, #tpu.memory_space<vmem>> -> memref<200x64xf32, #tpu.memory_space<vmem>>
      tpu.wait_dma2 semaphore(%arg10 : memref<!tpu.dma_semaphore, #tpu.memory_space<semaphore_mem>>) src(%arg7 : memref<200x64xf32, #tpu.memory_space<vmem_shared>>) dst(%dma_wait3A_206 : memref<200x64xf32, #tpu.memory_space<vmem>>)
      %dma_start3A_207 = arith.constant 1 : i32
      %dma_start3A_208 = arith.constant 0 : i32
      %dma_start3A_209 = arith.constant 0 : i32
      %dma_start3A_210 = tpu.memref_slice %arg8[%dma_start3A_207, %dma_start3A_208, %dma_start3A_209] : memref<4x200x128xf32, #tpu.memory_space<vmem>> -> memref<1x200x128xf32, #tpu.memory_space<vmem>>
      %dma_start3A_211 = tpu.memref_squeeze %dma_start3A_210 : memref<1x200x128xf32, #tpu.memory_space<vmem>> -> memref<200x128xf32, #tpu.memory_space<vmem>>
      %dma_start3A_212 = arith.constant 0 : i32
      %dma_start3A_213 = arith.constant 0 : i32
      %dma_start3A_214 = tpu.memref_slice %dma_start3A_211[%dma_start3A_212, %dma_start3A_213] : memref<200x128xf32, #tpu.memory_space<vmem>> -> memref<104x128xf32, #tpu.memory_space<vmem>>
      %dma_start3A_215 = arith.constant 0 : i32
      %dma_start3A_216 = tpu.memref_slice %arg6[%add3A_197, %dma_start3A_215] : memref<128x200xi32, #tpu.memory_space<vmem>> -> memref<1x104xi32, #tpu.memory_space<vmem>>
      %dma_start3A_217 = tpu.memref_squeeze %dma_start3A_216 : memref<1x104xi32, #tpu.memory_space<vmem>> -> memref<104xi32, #tpu.memory_space<vmem>>
      %dma_start3A_218 = arith.constant 0 : i32
      %dma_start3A_219 = arith.constant 0 : i32
      %dma_start3A_220 = tpu.memref_slice %arg3[%dma_start3A_218, %dma_start3A_219] : memref<1000000x128xf32, #tpu.memory_space<hbm>> -> memref<1000000x128xf32, #tpu.memory_space<hbm>>
      tpu.enqueue_indirect_dma source(%dma_start3A_220 : memref<1000000x128xf32, #tpu.memory_space<hbm>>) target(%dma_start3A_214 : memref<104x128xf32, #tpu.memory_space<vmem>>) offsets(%dma_start3A_217 : memref<104xi32, #tpu.memory_space<vmem>>) semaphore(%arg18 : memref<!tpu.dma_semaphore, #tpu.memory_space<semaphore_mem>>) {add = true}
      %dma_start3A_221 = arith.constant 1 : i32
      %dma_start3A_222 = arith.constant 0 : i32
      %dma_start3A_223 = arith.constant 0 : i32
      %dma_start3A_224 = tpu.memref_slice %arg8[%dma_start3A_221, %dma_start3A_222, %dma_start3A_223] : memref<4x200x128xf32, #tpu.memory_space<vmem>> -> memref<1x200x128xf32, #tpu.memory_space<vmem>>
      %dma_start3A_225 = tpu.memref_squeeze %dma_start3A_224 : memref<1x200x128xf32, #tpu.memory_space<vmem>> -> memref<200x128xf32, #tpu.memory_space<vmem>>
      %dma_start3A_226 = arith.constant 104 : i32
      %dma_start3A_227 = arith.constant 0 : i32
      %dma_start3A_228 = tpu.memref_slice %dma_start3A_225[%dma_start3A_226, %dma_start3A_227] : memref<200x128xf32, #tpu.memory_space<vmem>> -> memref<96x128xf32, #tpu.memory_space<vmem>>
      %dma_start3A_229 = arith.constant 104 : i32
      %dma_start3A_230 = tpu.memref_slice %arg6[%add3A_197, %dma_start3A_229] : memref<128x200xi32, #tpu.memory_space<vmem>> -> memref<1x96xi32, #tpu.memory_space<vmem>>
      %dma_start3A_231 = tpu.memref_squeeze %dma_start3A_230 : memref<1x96xi32, #tpu.memory_space<vmem>> -> memref<96xi32, #tpu.memory_space<vmem>>
      %dma_start3A_232 = arith.constant 0 : i32
      %dma_start3A_233 = arith.constant 0 : i32
      %dma_start3A_234 = tpu.memref_slice %arg3[%dma_start3A_232, %dma_start3A_233] : memref<1000000x128xf32, #tpu.memory_space<hbm>> -> memref<1000000x128xf32, #tpu.memory_space<hbm>>
      tpu.enqueue_indirect_dma source(%dma_start3A_234 : memref<1000000x128xf32, #tpu.memory_space<hbm>>) target(%dma_start3A_228 : memref<96x128xf32, #tpu.memory_space<vmem>>) offsets(%dma_start3A_231 : memref<96xi32, #tpu.memory_space<vmem>>) semaphore(%arg18 : memref<!tpu.dma_semaphore, #tpu.memory_space<semaphore_mem>>) {add = true}
      %ge3A_235 = arith.constant 1 : i32
      %ge3A_236 = arith.cmpi sge, %add3A_197, %ge3A_235 : i32
      %convert_element_type3A_237 = arith.extui %ge3A_236 : i1 to i32
      %cond3A_238 = arith.constant 0 : i32
      %cond3A_239 = arith.cmpi ne, %convert_element_type3A_237, %cond3A_238 : i32
      scf.if %cond3A_239 {
        %sub3A = arith.constant 1 : i32
        %sub3A_353 = arith.subi %add3A_197, %sub3A : i32
        %dma_wait3A_354 = arith.constant 0 : i32
        %dma_wait3A_355 = arith.constant 0 : i32
        %dma_wait3A_356 = arith.constant 0 : i32
        %dma_wait3A_357 = tpu.memref_slice %arg8[%dma_wait3A_354, %dma_wait3A_355, %dma_wait3A_356] : memref<4x200x128xf32, #tpu.memory_space<vmem>> -> memref<1x200x128xf32, #tpu.memory_space<vmem>>
        %dma_wait3A_358 = tpu.memref_squeeze %dma_wait3A_357 : memref<1x200x128xf32, #tpu.memory_space<vmem>> -> memref<200x128xf32, #tpu.memory_space<vmem>>
        %dma_wait3A_359 = arith.constant 0 : i32
        %dma_wait3A_360 = arith.constant 0 : i32
        %dma_wait3A_361 = tpu.memref_slice %dma_wait3A_358[%dma_wait3A_359, %dma_wait3A_360] : memref<200x128xf32, #tpu.memory_space<vmem>> -> memref<104x128xf32, #tpu.memory_space<vmem>>
        %dma_wait3A_362 = arith.constant 0 : i32
        %dma_wait3A_363 = tpu.memref_slice %arg6[%sub3A_353, %dma_wait3A_362] : memref<128x200xi32, #tpu.memory_space<vmem>> -> memref<1x104xi32, #tpu.memory_space<vmem>>
        %dma_wait3A_364 = tpu.memref_squeeze %dma_wait3A_363 : memref<1x104xi32, #tpu.memory_space<vmem>> -> memref<104xi32, #tpu.memory_space<vmem>>
        %dma_wait3A_365 = arith.constant 0 : i32
        %dma_wait3A_366 = arith.constant 0 : i32
        %dma_wait3A_367 = tpu.memref_slice %arg3[%dma_wait3A_365, %dma_wait3A_366] : memref<1000000x128xf32, #tpu.memory_space<hbm>> -> memref<1000000x128xf32, #tpu.memory_space<hbm>>
        tpu.wait_indirect_dma semaphore(%arg17 : memref<!tpu.dma_semaphore, #tpu.memory_space<semaphore_mem>>) src(%dma_wait3A_367 : memref<1000000x128xf32, #tpu.memory_space<hbm>>) dst(%dma_wait3A_361 : memref<104x128xf32, #tpu.memory_space<vmem>>)
        %dma_wait3A_368 = arith.constant 0 : i32
        %dma_wait3A_369 = arith.constant 0 : i32
        %dma_wait3A_370 = arith.constant 0 : i32
        %dma_wait3A_371 = tpu.memref_slice %arg8[%dma_wait3A_368, %dma_wait3A_369, %dma_wait3A_370] : memref<4x200x128xf32, #tpu.memory_space<vmem>> -> memref<1x200x128xf32, #tpu.memory_space<vmem>>
        %dma_wait3A_372 = tpu.memref_squeeze %dma_wait3A_371 : memref<1x200x128xf32, #tpu.memory_space<vmem>> -> memref<200x128xf32, #tpu.memory_space<vmem>>
        %dma_wait3A_373 = arith.constant 104 : i32
        %dma_wait3A_374 = arith.constant 0 : i32
        %dma_wait3A_375 = tpu.memref_slice %dma_wait3A_372[%dma_wait3A_373, %dma_wait3A_374] : memref<200x128xf32, #tpu.memory_space<vmem>> -> memref<96x128xf32, #tpu.memory_space<vmem>>
        %dma_wait3A_376 = arith.constant 104 : i32
        %dma_wait3A_377 = tpu.memref_slice %arg6[%sub3A_353, %dma_wait3A_376] : memref<128x200xi32, #tpu.memory_space<vmem>> -> memref<1x96xi32, #tpu.memory_space<vmem>>
        %dma_wait3A_378 = tpu.memref_squeeze %dma_wait3A_377 : memref<1x96xi32, #tpu.memory_space<vmem>> -> memref<96xi32, #tpu.memory_space<vmem>>
        %dma_wait3A_379 = arith.constant 0 : i32
        %dma_wait3A_380 = arith.constant 0 : i32
        %dma_wait3A_381 = tpu.memref_slice %arg3[%dma_wait3A_379, %dma_wait3A_380] : memref<1000000x128xf32, #tpu.memory_space<hbm>> -> memref<1000000x128xf32, #tpu.memory_space<hbm>>
        tpu.wait_indirect_dma semaphore(%arg17 : memref<!tpu.dma_semaphore, #tpu.memory_space<semaphore_mem>>) src(%dma_wait3A_381 : memref<1000000x128xf32, #tpu.memory_space<hbm>>) dst(%dma_wait3A_375 : memref<96x128xf32, #tpu.memory_space<vmem>>)
        %add3A_382 = arith.addi %mul3A_2, %sub3A_353 : i32
        %dma_start3A_383 = arith.constant 0 : i32
        %dma_start3A_384 = arith.constant 0 : i32
        %dma_start3A_385 = arith.constant 0 : i32
        %dma_start3A_386 = tpu.memref_slice %arg8[%dma_start3A_383, %dma_start3A_384, %dma_start3A_385] : memref<4x200x128xf32, #tpu.memory_space<vmem>> -> memref<1x200x64xf32, #tpu.memory_space<vmem>>
        %dma_start3A_387 = tpu.memref_squeeze %dma_start3A_386 : memref<1x200x64xf32, #tpu.memory_space<vmem>> -> memref<200x64xf32, #tpu.memory_space<vmem>>
        %dma_start3A_388 = arith.constant 0 : i32
        %dma_start3A_389 = arith.constant 0 : i32
        %dma_start3A_390 = tpu.memref_slice %arg5[%add3A_382, %dma_start3A_388, %dma_start3A_389] : memref<4096x200x128xf32, #tpu.memory_space<hbm>> -> memref<1x200x64xf32, #tpu.memory_space<hbm>>
        %dma_start3A_391 = tpu.memref_squeeze %dma_start3A_390 : memref<1x200x64xf32, #tpu.memory_space<hbm>> -> memref<200x64xf32, #tpu.memory_space<hbm>>
        %dma_start3A_392 = arith.constant 0 : i32
        %dma_start3A_393 = arith.constant 0 : i32
        %dma_start3A_394 = tpu.memref_slice %arg5[%add3A_382, %dma_start3A_392, %dma_start3A_393] : memref<4096x200x128xf32, #tpu.memory_space<hbm>> -> memref<1x200x64xf32, #tpu.memory_space<hbm>>
        %dma_start3A_395 = tpu.memref_squeeze %dma_start3A_394 : memref<1x200x64xf32, #tpu.memory_space<hbm>> -> memref<200x64xf32, #tpu.memory_space<hbm>>
        %dma_start3A_396 = arith.constant 0 : i32
        %dma_start3A_397 = arith.constant 0 : i32
        %dma_start3A_398 = tpu.memref_slice %arg8[%dma_start3A_383, %dma_start3A_396, %dma_start3A_397] : memref<4x200x128xf32, #tpu.memory_space<vmem>> -> memref<1x200x64xf32, #tpu.memory_space<vmem>>
        %dma_start3A_399 = tpu.memref_squeeze %dma_start3A_398 : memref<1x200x64xf32, #tpu.memory_space<vmem>> -> memref<200x64xf32, #tpu.memory_space<vmem>>
        tpu.enqueue_dma source(%dma_start3A_399 : memref<200x64xf32, #tpu.memory_space<vmem>>) target(%dma_start3A_395 : memref<200x64xf32, #tpu.memory_space<hbm>>) target_semaphore(%arg13 : memref<!tpu.dma_semaphore, #tpu.memory_space<semaphore_mem>>)
      } else {
      }
      %add3A_240 = arith.constant 1 : i32
      %add3A_241 = arith.addi %add3A_197, %add3A_240 : i32
      %lt3A_242 = arith.constant 128 : i32
      %lt3A_243 = arith.cmpi slt, %add3A_241, %lt3A_242 : i32
      %convert_element_type3A_244 = arith.extui %lt3A_243 : i1 to i32
      %cond3A_245 = arith.constant 0 : i32
      %cond3A_246 = arith.cmpi ne, %convert_element_type3A_244, %cond3A_245 : i32
      scf.if %cond3A_246 {
        %add3A_353 = arith.constant 1 : i32
        %add3A_354 = arith.addi %add3A_197, %add3A_353 : i32
        %ge3A_355 = arith.constant 4 : i32
        %ge3A_356 = arith.cmpi sge, %add3A_354, %ge3A_355 : i32
        %convert_element_type3A_357 = arith.extui %ge3A_356 : i1 to i32
        %cond3A_358 = arith.constant 0 : i32
        %cond3A_359 = arith.cmpi ne, %convert_element_type3A_357, %cond3A_358 : i32
        scf.if %cond3A_359 {
          %add3A_369 = arith.addi %mul3A_2, %add3A_197 : i32
          %dma_wait3A_370 = arith.constant 2 : i32
          %dma_wait3A_371 = arith.constant 0 : i32
          %dma_wait3A_372 = arith.constant 0 : i32
          %dma_wait3A_373 = tpu.memref_slice %arg8[%dma_wait3A_370, %dma_wait3A_371, %dma_wait3A_372] : memref<4x200x128xf32, #tpu.memory_space<vmem>> -> memref<1x200x64xf32, #tpu.memory_space<vmem>>
          %dma_wait3A_374 = tpu.memref_squeeze %dma_wait3A_373 : memref<1x200x64xf32, #tpu.memory_space<vmem>> -> memref<200x64xf32, #tpu.memory_space<vmem>>
          %dma_wait3A_375 = arith.constant 0 : i32
          %dma_wait3A_376 = arith.constant 0 : i32
          %dma_wait3A_377 = tpu.memref_slice %arg5[%add3A_369, %dma_wait3A_375, %dma_wait3A_376] : memref<4096x200x128xf32, #tpu.memory_space<hbm>> -> memref<1x200x64xf32, #tpu.memory_space<hbm>>
          %dma_wait3A_378 = tpu.memref_squeeze %dma_wait3A_377 : memref<1x200x64xf32, #tpu.memory_space<hbm>> -> memref<200x64xf32, #tpu.memory_space<hbm>>
          %dma_wait3A_379 = arith.constant 0 : i32
          %dma_wait3A_380 = arith.constant 0 : i32
          %dma_wait3A_381 = tpu.memref_slice %arg5[%add3A_369, %dma_wait3A_379, %dma_wait3A_380] : memref<4096x200x128xf32, #tpu.memory_space<hbm>> -> memref<1x200x64xf32, #tpu.memory_space<hbm>>
          %dma_wait3A_382 = tpu.memref_squeeze %dma_wait3A_381 : memref<1x200x64xf32, #tpu.memory_space<hbm>> -> memref<200x64xf32, #tpu.memory_space<hbm>>
          %dma_wait3A_383 = arith.constant 0 : i32
          %dma_wait3A_384 = arith.constant 0 : i32
          %dma_wait3A_385 = tpu.memref_slice %arg8[%dma_wait3A_370, %dma_wait3A_383, %dma_wait3A_384] : memref<4x200x128xf32, #tpu.memory_space<vmem>> -> memref<1x200x64xf32, #tpu.memory_space<vmem>>
          %dma_wait3A_386 = tpu.memref_squeeze %dma_wait3A_385 : memref<1x200x64xf32, #tpu.memory_space<vmem>> -> memref<200x64xf32, #tpu.memory_space<vmem>>
          tpu.wait_dma2 semaphore(%arg15 : memref<!tpu.dma_semaphore, #tpu.memory_space<semaphore_mem>>) src(%dma_wait3A_386 : memref<200x64xf32, #tpu.memory_space<vmem>>) dst(%dma_wait3A_382 : memref<200x64xf32, #tpu.memory_space<hbm>>)
        } else {
        }
        %dma_start3A_360 = arith.constant 2 : i32
        %dma_start3A_361 = arith.constant 0 : i32
        %dma_start3A_362 = arith.constant 0 : i32
        %dma_start3A_363 = tpu.memref_slice %arg8[%dma_start3A_360, %dma_start3A_361, %dma_start3A_362] : memref<4x200x128xf32, #tpu.memory_space<vmem>> -> memref<1x200x64xf32, #tpu.memory_space<vmem>>
        %dma_start3A_364 = tpu.memref_squeeze %dma_start3A_363 : memref<1x200x64xf32, #tpu.memory_space<vmem>> -> memref<200x64xf32, #tpu.memory_space<vmem>>
        %dma_start3A_365 = arith.constant 0 : i32
        %dma_start3A_366 = arith.constant 0 : i32
        %dma_start3A_367 = tpu.memref_slice %arg8[%dma_start3A_360, %dma_start3A_365, %dma_start3A_366] : memref<4x200x128xf32, #tpu.memory_space<vmem>> -> memref<1x200x64xf32, #tpu.memory_space<vmem>>
        %dma_start3A_368 = tpu.memref_squeeze %dma_start3A_367 : memref<1x200x64xf32, #tpu.memory_space<vmem>> -> memref<200x64xf32, #tpu.memory_space<vmem>>
        tpu.enqueue_dma source(%arg7 : memref<200x64xf32, #tpu.memory_space<vmem_shared>>) target(%dma_start3A_368 : memref<200x64xf32, #tpu.memory_space<vmem>>) target_semaphore(%arg11 : memref<!tpu.dma_semaphore, #tpu.memory_space<semaphore_mem>>)
      } else {
      }
      %mul3A_247 = arith.constant 4 : i32
      %mul3A_248 = arith.muli %scan3A_142, %mul3A_247 : i32
      %add3A_249 = arith.constant 2 : i32
      %add3A_250 = arith.addi %mul3A_248, %add3A_249 : i32
      %dma_wait3A_251 = arith.constant 2 : i32
      %dma_wait3A_252 = arith.constant 0 : i32
      %dma_wait3A_253 = arith.constant 0 : i32
      %dma_wait3A_254 = tpu.memref_slice %arg8[%dma_wait3A_251, %dma_wait3A_252, %dma_wait3A_253] : memref<4x200x128xf32, #tpu.memory_space<vmem>> -> memref<1x200x64xf32, #tpu.memory_space<vmem>>
      %dma_wait3A_255 = tpu.memref_squeeze %dma_wait3A_254 : memref<1x200x64xf32, #tpu.memory_space<vmem>> -> memref<200x64xf32, #tpu.memory_space<vmem>>
      %dma_wait3A_256 = arith.constant 0 : i32
      %dma_wait3A_257 = arith.constant 0 : i32
      %dma_wait3A_258 = tpu.memref_slice %arg8[%dma_wait3A_251, %dma_wait3A_256, %dma_wait3A_257] : memref<4x200x128xf32, #tpu.memory_space<vmem>> -> memref<1x200x64xf32, #tpu.memory_space<vmem>>
      %dma_wait3A_259 = tpu.memref_squeeze %dma_wait3A_258 : memref<1x200x64xf32, #tpu.memory_space<vmem>> -> memref<200x64xf32, #tpu.memory_space<vmem>>
      tpu.wait_dma2 semaphore(%arg11 : memref<!tpu.dma_semaphore, #tpu.memory_space<semaphore_mem>>) src(%arg7 : memref<200x64xf32, #tpu.memory_space<vmem_shared>>) dst(%dma_wait3A_259 : memref<200x64xf32, #tpu.memory_space<vmem>>)
      %dma_start3A_260 = arith.constant 2 : i32
      %dma_start3A_261 = arith.constant 0 : i32
      %dma_start3A_262 = arith.constant 0 : i32
      %dma_start3A_263 = tpu.memref_slice %arg8[%dma_start3A_260, %dma_start3A_261, %dma_start3A_262] : memref<4x200x128xf32, #tpu.memory_space<vmem>> -> memref<1x200x128xf32, #tpu.memory_space<vmem>>
      %dma_start3A_264 = tpu.memref_squeeze %dma_start3A_263 : memref<1x200x128xf32, #tpu.memory_space<vmem>> -> memref<200x128xf32, #tpu.memory_space<vmem>>
      %dma_start3A_265 = arith.constant 0 : i32
      %dma_start3A_266 = arith.constant 0 : i32
      %dma_start3A_267 = tpu.memref_slice %dma_start3A_264[%dma_start3A_265, %dma_start3A_266] : memref<200x128xf32, #tpu.memory_space<vmem>> -> memref<104x128xf32, #tpu.memory_space<vmem>>
      %dma_start3A_268 = arith.constant 0 : i32
      %dma_start3A_269 = tpu.memref_slice %arg6[%add3A_250, %dma_start3A_268] : memref<128x200xi32, #tpu.memory_space<vmem>> -> memref<1x104xi32, #tpu.memory_space<vmem>>
      %dma_start3A_270 = tpu.memref_squeeze %dma_start3A_269 : memref<1x104xi32, #tpu.memory_space<vmem>> -> memref<104xi32, #tpu.memory_space<vmem>>
      %dma_start3A_271 = arith.constant 0 : i32
      %dma_start3A_272 = arith.constant 0 : i32
      %dma_start3A_273 = tpu.memref_slice %arg3[%dma_start3A_271, %dma_start3A_272] : memref<1000000x128xf32, #tpu.memory_space<hbm>> -> memref<1000000x128xf32, #tpu.memory_space<hbm>>
      tpu.enqueue_indirect_dma source(%dma_start3A_273 : memref<1000000x128xf32, #tpu.memory_space<hbm>>) target(%dma_start3A_267 : memref<104x128xf32, #tpu.memory_space<vmem>>) offsets(%dma_start3A_270 : memref<104xi32, #tpu.memory_space<vmem>>) semaphore(%arg19 : memref<!tpu.dma_semaphore, #tpu.memory_space<semaphore_mem>>) {add = true}
      %dma_start3A_274 = arith.constant 2 : i32
      %dma_start3A_275 = arith.constant 0 : i32
      %dma_start3A_276 = arith.constant 0 : i32
      %dma_start3A_277 = tpu.memref_slice %arg8[%dma_start3A_274, %dma_start3A_275, %dma_start3A_276] : memref<4x200x128xf32, #tpu.memory_space<vmem>> -> memref<1x200x128xf32, #tpu.memory_space<vmem>>
      %dma_start3A_278 = tpu.memref_squeeze %dma_start3A_277 : memref<1x200x128xf32, #tpu.memory_space<vmem>> -> memref<200x128xf32, #tpu.memory_space<vmem>>
      %dma_start3A_279 = arith.constant 104 : i32
      %dma_start3A_280 = arith.constant 0 : i32
      %dma_start3A_281 = tpu.memref_slice %dma_start3A_278[%dma_start3A_279, %dma_start3A_280] : memref<200x128xf32, #tpu.memory_space<vmem>> -> memref<96x128xf32, #tpu.memory_space<vmem>>
      %dma_start3A_282 = arith.constant 104 : i32
      %dma_start3A_283 = tpu.memref_slice %arg6[%add3A_250, %dma_start3A_282] : memref<128x200xi32, #tpu.memory_space<vmem>> -> memref<1x96xi32, #tpu.memory_space<vmem>>
      %dma_start3A_284 = tpu.memref_squeeze %dma_start3A_283 : memref<1x96xi32, #tpu.memory_space<vmem>> -> memref<96xi32, #tpu.memory_space<vmem>>
      %dma_start3A_285 = arith.constant 0 : i32
      %dma_start3A_286 = arith.constant 0 : i32
      %dma_start3A_287 = tpu.memref_slice %arg3[%dma_start3A_285, %dma_start3A_286] : memref<1000000x128xf32, #tpu.memory_space<hbm>> -> memref<1000000x128xf32, #tpu.memory_space<hbm>>
      tpu.enqueue_indirect_dma source(%dma_start3A_287 : memref<1000000x128xf32, #tpu.memory_space<hbm>>) target(%dma_start3A_281 : memref<96x128xf32, #tpu.memory_space<vmem>>) offsets(%dma_start3A_284 : memref<96xi32, #tpu.memory_space<vmem>>) semaphore(%arg19 : memref<!tpu.dma_semaphore, #tpu.memory_space<semaphore_mem>>) {add = true}
      %ge3A_288 = arith.constant 1 : i32
      %ge3A_289 = arith.cmpi sge, %add3A_250, %ge3A_288 : i32
      %convert_element_type3A_290 = arith.extui %ge3A_289 : i1 to i32
      %cond3A_291 = arith.constant 0 : i32
      %cond3A_292 = arith.cmpi ne, %convert_element_type3A_290, %cond3A_291 : i32
      scf.if %cond3A_292 {
        %sub3A = arith.constant 1 : i32
        %sub3A_353 = arith.subi %add3A_250, %sub3A : i32
        %dma_wait3A_354 = arith.constant 1 : i32
        %dma_wait3A_355 = arith.constant 0 : i32
        %dma_wait3A_356 = arith.constant 0 : i32
        %dma_wait3A_357 = tpu.memref_slice %arg8[%dma_wait3A_354, %dma_wait3A_355, %dma_wait3A_356] : memref<4x200x128xf32, #tpu.memory_space<vmem>> -> memref<1x200x128xf32, #tpu.memory_space<vmem>>
        %dma_wait3A_358 = tpu.memref_squeeze %dma_wait3A_357 : memref<1x200x128xf32, #tpu.memory_space<vmem>> -> memref<200x128xf32, #tpu.memory_space<vmem>>
        %dma_wait3A_359 = arith.constant 0 : i32
        %dma_wait3A_360 = arith.constant 0 : i32
        %dma_wait3A_361 = tpu.memref_slice %dma_wait3A_358[%dma_wait3A_359, %dma_wait3A_360] : memref<200x128xf32, #tpu.memory_space<vmem>> -> memref<104x128xf32, #tpu.memory_space<vmem>>
        %dma_wait3A_362 = arith.constant 0 : i32
        %dma_wait3A_363 = tpu.memref_slice %arg6[%sub3A_353, %dma_wait3A_362] : memref<128x200xi32, #tpu.memory_space<vmem>> -> memref<1x104xi32, #tpu.memory_space<vmem>>
        %dma_wait3A_364 = tpu.memref_squeeze %dma_wait3A_363 : memref<1x104xi32, #tpu.memory_space<vmem>> -> memref<104xi32, #tpu.memory_space<vmem>>
        %dma_wait3A_365 = arith.constant 0 : i32
        %dma_wait3A_366 = arith.constant 0 : i32
        %dma_wait3A_367 = tpu.memref_slice %arg3[%dma_wait3A_365, %dma_wait3A_366] : memref<1000000x128xf32, #tpu.memory_space<hbm>> -> memref<1000000x128xf32, #tpu.memory_space<hbm>>
        tpu.wait_indirect_dma semaphore(%arg18 : memref<!tpu.dma_semaphore, #tpu.memory_space<semaphore_mem>>) src(%dma_wait3A_367 : memref<1000000x128xf32, #tpu.memory_space<hbm>>) dst(%dma_wait3A_361 : memref<104x128xf32, #tpu.memory_space<vmem>>)
        %dma_wait3A_368 = arith.constant 1 : i32
        %dma_wait3A_369 = arith.constant 0 : i32
        %dma_wait3A_370 = arith.constant 0 : i32
        %dma_wait3A_371 = tpu.memref_slice %arg8[%dma_wait3A_368, %dma_wait3A_369, %dma_wait3A_370] : memref<4x200x128xf32, #tpu.memory_space<vmem>> -> memref<1x200x128xf32, #tpu.memory_space<vmem>>
        %dma_wait3A_372 = tpu.memref_squeeze %dma_wait3A_371 : memref<1x200x128xf32, #tpu.memory_space<vmem>> -> memref<200x128xf32, #tpu.memory_space<vmem>>
        %dma_wait3A_373 = arith.constant 104 : i32
        %dma_wait3A_374 = arith.constant 0 : i32
        %dma_wait3A_375 = tpu.memref_slice %dma_wait3A_372[%dma_wait3A_373, %dma_wait3A_374] : memref<200x128xf32, #tpu.memory_space<vmem>> -> memref<96x128xf32, #tpu.memory_space<vmem>>
        %dma_wait3A_376 = arith.constant 104 : i32
        %dma_wait3A_377 = tpu.memref_slice %arg6[%sub3A_353, %dma_wait3A_376] : memref<128x200xi32, #tpu.memory_space<vmem>> -> memref<1x96xi32, #tpu.memory_space<vmem>>
        %dma_wait3A_378 = tpu.memref_squeeze %dma_wait3A_377 : memref<1x96xi32, #tpu.memory_space<vmem>> -> memref<96xi32, #tpu.memory_space<vmem>>
        %dma_wait3A_379 = arith.constant 0 : i32
        %dma_wait3A_380 = arith.constant 0 : i32
        %dma_wait3A_381 = tpu.memref_slice %arg3[%dma_wait3A_379, %dma_wait3A_380] : memref<1000000x128xf32, #tpu.memory_space<hbm>> -> memref<1000000x128xf32, #tpu.memory_space<hbm>>
        tpu.wait_indirect_dma semaphore(%arg18 : memref<!tpu.dma_semaphore, #tpu.memory_space<semaphore_mem>>) src(%dma_wait3A_381 : memref<1000000x128xf32, #tpu.memory_space<hbm>>) dst(%dma_wait3A_375 : memref<96x128xf32, #tpu.memory_space<vmem>>)
        %add3A_382 = arith.addi %mul3A_2, %sub3A_353 : i32
        %dma_start3A_383 = arith.constant 1 : i32
        %dma_start3A_384 = arith.constant 0 : i32
        %dma_start3A_385 = arith.constant 0 : i32
        %dma_start3A_386 = tpu.memref_slice %arg8[%dma_start3A_383, %dma_start3A_384, %dma_start3A_385] : memref<4x200x128xf32, #tpu.memory_space<vmem>> -> memref<1x200x64xf32, #tpu.memory_space<vmem>>
        %dma_start3A_387 = tpu.memref_squeeze %dma_start3A_386 : memref<1x200x64xf32, #tpu.memory_space<vmem>> -> memref<200x64xf32, #tpu.memory_space<vmem>>
        %dma_start3A_388 = arith.constant 0 : i32
        %dma_start3A_389 = arith.constant 0 : i32
        %dma_start3A_390 = tpu.memref_slice %arg5[%add3A_382, %dma_start3A_388, %dma_start3A_389] : memref<4096x200x128xf32, #tpu.memory_space<hbm>> -> memref<1x200x64xf32, #tpu.memory_space<hbm>>
        %dma_start3A_391 = tpu.memref_squeeze %dma_start3A_390 : memref<1x200x64xf32, #tpu.memory_space<hbm>> -> memref<200x64xf32, #tpu.memory_space<hbm>>
        %dma_start3A_392 = arith.constant 0 : i32
        %dma_start3A_393 = arith.constant 0 : i32
        %dma_start3A_394 = tpu.memref_slice %arg5[%add3A_382, %dma_start3A_392, %dma_start3A_393] : memref<4096x200x128xf32, #tpu.memory_space<hbm>> -> memref<1x200x64xf32, #tpu.memory_space<hbm>>
        %dma_start3A_395 = tpu.memref_squeeze %dma_start3A_394 : memref<1x200x64xf32, #tpu.memory_space<hbm>> -> memref<200x64xf32, #tpu.memory_space<hbm>>
        %dma_start3A_396 = arith.constant 0 : i32
        %dma_start3A_397 = arith.constant 0 : i32
        %dma_start3A_398 = tpu.memref_slice %arg8[%dma_start3A_383, %dma_start3A_396, %dma_start3A_397] : memref<4x200x128xf32, #tpu.memory_space<vmem>> -> memref<1x200x64xf32, #tpu.memory_space<vmem>>
        %dma_start3A_399 = tpu.memref_squeeze %dma_start3A_398 : memref<1x200x64xf32, #tpu.memory_space<vmem>> -> memref<200x64xf32, #tpu.memory_space<vmem>>
        tpu.enqueue_dma source(%dma_start3A_399 : memref<200x64xf32, #tpu.memory_space<vmem>>) target(%dma_start3A_395 : memref<200x64xf32, #tpu.memory_space<hbm>>) target_semaphore(%arg14 : memref<!tpu.dma_semaphore, #tpu.memory_space<semaphore_mem>>)
      } else {
      }
      %add3A_293 = arith.constant 1 : i32
      %add3A_294 = arith.addi %add3A_250, %add3A_293 : i32
      %lt3A_295 = arith.constant 128 : i32
      %lt3A_296 = arith.cmpi slt, %add3A_294, %lt3A_295 : i32
      %convert_element_type3A_297 = arith.extui %lt3A_296 : i1 to i32
      %cond3A_298 = arith.constant 0 : i32
      %cond3A_299 = arith.cmpi ne, %convert_element_type3A_297, %cond3A_298 : i32
      scf.if %cond3A_299 {
        %add3A_353 = arith.constant 1 : i32
        %add3A_354 = arith.addi %add3A_250, %add3A_353 : i32
        %ge3A_355 = arith.constant 4 : i32
        %ge3A_356 = arith.cmpi sge, %add3A_354, %ge3A_355 : i32
        %convert_element_type3A_357 = arith.extui %ge3A_356 : i1 to i32
        %cond3A_358 = arith.constant 0 : i32
        %cond3A_359 = arith.cmpi ne, %convert_element_type3A_357, %cond3A_358 : i32
        scf.if %cond3A_359 {
          %add3A_369 = arith.addi %mul3A_2, %add3A_250 : i32
          %dma_wait3A_370 = arith.constant 3 : i32
          %dma_wait3A_371 = arith.constant 0 : i32
          %dma_wait3A_372 = arith.constant 0 : i32
          %dma_wait3A_373 = tpu.memref_slice %arg8[%dma_wait3A_370, %dma_wait3A_371, %dma_wait3A_372] : memref<4x200x128xf32, #tpu.memory_space<vmem>> -> memref<1x200x64xf32, #tpu.memory_space<vmem>>
          %dma_wait3A_374 = tpu.memref_squeeze %dma_wait3A_373 : memref<1x200x64xf32, #tpu.memory_space<vmem>> -> memref<200x64xf32, #tpu.memory_space<vmem>>
          %dma_wait3A_375 = arith.constant 0 : i32
          %dma_wait3A_376 = arith.constant 0 : i32
          %dma_wait3A_377 = tpu.memref_slice %arg5[%add3A_369, %dma_wait3A_375, %dma_wait3A_376] : memref<4096x200x128xf32, #tpu.memory_space<hbm>> -> memref<1x200x64xf32, #tpu.memory_space<hbm>>
          %dma_wait3A_378 = tpu.memref_squeeze %dma_wait3A_377 : memref<1x200x64xf32, #tpu.memory_space<hbm>> -> memref<200x64xf32, #tpu.memory_space<hbm>>
          %dma_wait3A_379 = arith.constant 0 : i32
          %dma_wait3A_380 = arith.constant 0 : i32
          %dma_wait3A_381 = tpu.memref_slice %arg5[%add3A_369, %dma_wait3A_379, %dma_wait3A_380] : memref<4096x200x128xf32, #tpu.memory_space<hbm>> -> memref<1x200x64xf32, #tpu.memory_space<hbm>>
          %dma_wait3A_382 = tpu.memref_squeeze %dma_wait3A_381 : memref<1x200x64xf32, #tpu.memory_space<hbm>> -> memref<200x64xf32, #tpu.memory_space<hbm>>
          %dma_wait3A_383 = arith.constant 0 : i32
          %dma_wait3A_384 = arith.constant 0 : i32
          %dma_wait3A_385 = tpu.memref_slice %arg8[%dma_wait3A_370, %dma_wait3A_383, %dma_wait3A_384] : memref<4x200x128xf32, #tpu.memory_space<vmem>> -> memref<1x200x64xf32, #tpu.memory_space<vmem>>
          %dma_wait3A_386 = tpu.memref_squeeze %dma_wait3A_385 : memref<1x200x64xf32, #tpu.memory_space<vmem>> -> memref<200x64xf32, #tpu.memory_space<vmem>>
          tpu.wait_dma2 semaphore(%arg16 : memref<!tpu.dma_semaphore, #tpu.memory_space<semaphore_mem>>) src(%dma_wait3A_386 : memref<200x64xf32, #tpu.memory_space<vmem>>) dst(%dma_wait3A_382 : memref<200x64xf32, #tpu.memory_space<hbm>>)
        } else {
        }
        %dma_start3A_360 = arith.constant 3 : i32
        %dma_start3A_361 = arith.constant 0 : i32
        %dma_start3A_362 = arith.constant 0 : i32
        %dma_start3A_363 = tpu.memref_slice %arg8[%dma_start3A_360, %dma_start3A_361, %dma_start3A_362] : memref<4x200x128xf32, #tpu.memory_space<vmem>> -> memref<1x200x64xf32, #tpu.memory_space<vmem>>
        %dma_start3A_364 = tpu.memref_squeeze %dma_start3A_363 : memref<1x200x64xf32, #tpu.memory_space<vmem>> -> memref<200x64xf32, #tpu.memory_space<vmem>>
        %dma_start3A_365 = arith.constant 0 : i32
        %dma_start3A_366 = arith.constant 0 : i32
        %dma_start3A_367 = tpu.memref_slice %arg8[%dma_start3A_360, %dma_start3A_365, %dma_start3A_366] : memref<4x200x128xf32, #tpu.memory_space<vmem>> -> memref<1x200x64xf32, #tpu.memory_space<vmem>>
        %dma_start3A_368 = tpu.memref_squeeze %dma_start3A_367 : memref<1x200x64xf32, #tpu.memory_space<vmem>> -> memref<200x64xf32, #tpu.memory_space<vmem>>
        tpu.enqueue_dma source(%arg7 : memref<200x64xf32, #tpu.memory_space<vmem_shared>>) target(%dma_start3A_368 : memref<200x64xf32, #tpu.memory_space<vmem>>) target_semaphore(%arg12 : memref<!tpu.dma_semaphore, #tpu.memory_space<semaphore_mem>>)
      } else {
      }
      %mul3A_300 = arith.constant 4 : i32
      %mul3A_301 = arith.muli %scan3A_142, %mul3A_300 : i32
      %add3A_302 = arith.constant 3 : i32
      %add3A_303 = arith.addi %mul3A_301, %add3A_302 : i32
      %dma_wait3A_304 = arith.constant 3 : i32
      %dma_wait3A_305 = arith.constant 0 : i32
      %dma_wait3A_306 = arith.constant 0 : i32
      %dma_wait3A_307 = tpu.memref_slice %arg8[%dma_wait3A_304, %dma_wait3A_305, %dma_wait3A_306] : memref<4x200x128xf32, #tpu.memory_space<vmem>> -> memref<1x200x64xf32, #tpu.memory_space<vmem>>
      %dma_wait3A_308 = tpu.memref_squeeze %dma_wait3A_307 : memref<1x200x64xf32, #tpu.memory_space<vmem>> -> memref<200x64xf32, #tpu.memory_space<vmem>>
      %dma_wait3A_309 = arith.constant 0 : i32
      %dma_wait3A_310 = arith.constant 0 : i32
      %dma_wait3A_311 = tpu.memref_slice %arg8[%dma_wait3A_304, %dma_wait3A_309, %dma_wait3A_310] : memref<4x200x128xf32, #tpu.memory_space<vmem>> -> memref<1x200x64xf32, #tpu.memory_space<vmem>>
      %dma_wait3A_312 = tpu.memref_squeeze %dma_wait3A_311 : memref<1x200x64xf32, #tpu.memory_space<vmem>> -> memref<200x64xf32, #tpu.memory_space<vmem>>
      tpu.wait_dma2 semaphore(%arg12 : memref<!tpu.dma_semaphore, #tpu.memory_space<semaphore_mem>>) src(%arg7 : memref<200x64xf32, #tpu.memory_space<vmem_shared>>) dst(%dma_wait3A_312 : memref<200x64xf32, #tpu.memory_space<vmem>>)
      %dma_start3A_313 = arith.constant 3 : i32
      %dma_start3A_314 = arith.constant 0 : i32
      %dma_start3A_315 = arith.constant 0 : i32
      %dma_start3A_316 = tpu.memref_slice %arg8[%dma_start3A_313, %dma_start3A_314, %dma_start3A_315] : memref<4x200x128xf32, #tpu.memory_space<vmem>> -> memref<1x200x128xf32, #tpu.memory_space<vmem>>
      %dma_start3A_317 = tpu.memref_squeeze %dma_start3A_316 : memref<1x200x128xf32, #tpu.memory_space<vmem>> -> memref<200x128xf32, #tpu.memory_space<vmem>>
      %dma_start3A_318 = arith.constant 0 : i32
      %dma_start3A_319 = arith.constant 0 : i32
      %dma_start3A_320 = tpu.memref_slice %dma_start3A_317[%dma_start3A_318, %dma_start3A_319] : memref<200x128xf32, #tpu.memory_space<vmem>> -> memref<104x128xf32, #tpu.memory_space<vmem>>
      %dma_start3A_321 = arith.constant 0 : i32
      %dma_start3A_322 = tpu.memref_slice %arg6[%add3A_303, %dma_start3A_321] : memref<128x200xi32, #tpu.memory_space<vmem>> -> memref<1x104xi32, #tpu.memory_space<vmem>>
      %dma_start3A_323 = tpu.memref_squeeze %dma_start3A_322 : memref<1x104xi32, #tpu.memory_space<vmem>> -> memref<104xi32, #tpu.memory_space<vmem>>
      %dma_start3A_324 = arith.constant 0 : i32
      %dma_start3A_325 = arith.constant 0 : i32
      %dma_start3A_326 = tpu.memref_slice %arg3[%dma_start3A_324, %dma_start3A_325] : memref<1000000x128xf32, #tpu.memory_space<hbm>> -> memref<1000000x128xf32, #tpu.memory_space<hbm>>
      tpu.enqueue_indirect_dma source(%dma_start3A_326 : memref<1000000x128xf32, #tpu.memory_space<hbm>>) target(%dma_start3A_320 : memref<104x128xf32, #tpu.memory_space<vmem>>) offsets(%dma_start3A_323 : memref<104xi32, #tpu.memory_space<vmem>>) semaphore(%arg20 : memref<!tpu.dma_semaphore, #tpu.memory_space<semaphore_mem>>) {add = true}
      %dma_start3A_327 = arith.constant 3 : i32
      %dma_start3A_328 = arith.constant 0 : i32
      %dma_start3A_329 = arith.constant 0 : i32
      %dma_start3A_330 = tpu.memref_slice %arg8[%dma_start3A_327, %dma_start3A_328, %dma_start3A_329] : memref<4x200x128xf32, #tpu.memory_space<vmem>> -> memref<1x200x128xf32, #tpu.memory_space<vmem>>
      %dma_start3A_331 = tpu.memref_squeeze %dma_start3A_330 : memref<1x200x128xf32, #tpu.memory_space<vmem>> -> memref<200x128xf32, #tpu.memory_space<vmem>>
      %dma_start3A_332 = arith.constant 104 : i32
      %dma_start3A_333 = arith.constant 0 : i32
      %dma_start3A_334 = tpu.memref_slice %dma_start3A_331[%dma_start3A_332, %dma_start3A_333] : memref<200x128xf32, #tpu.memory_space<vmem>> -> memref<96x128xf32, #tpu.memory_space<vmem>>
      %dma_start3A_335 = arith.constant 104 : i32
      %dma_start3A_336 = tpu.memref_slice %arg6[%add3A_303, %dma_start3A_335] : memref<128x200xi32, #tpu.memory_space<vmem>> -> memref<1x96xi32, #tpu.memory_space<vmem>>
      %dma_start3A_337 = tpu.memref_squeeze %dma_start3A_336 : memref<1x96xi32, #tpu.memory_space<vmem>> -> memref<96xi32, #tpu.memory_space<vmem>>
      %dma_start3A_338 = arith.constant 0 : i32
      %dma_start3A_339 = arith.constant 0 : i32
      %dma_start3A_340 = tpu.memref_slice %arg3[%dma_start3A_338, %dma_start3A_339] : memref<1000000x128xf32, #tpu.memory_space<hbm>> -> memref<1000000x128xf32, #tpu.memory_space<hbm>>
      tpu.enqueue_indirect_dma source(%dma_start3A_340 : memref<1000000x128xf32, #tpu.memory_space<hbm>>) target(%dma_start3A_334 : memref<96x128xf32, #tpu.memory_space<vmem>>) offsets(%dma_start3A_337 : memref<96xi32, #tpu.memory_space<vmem>>) semaphore(%arg20 : memref<!tpu.dma_semaphore, #tpu.memory_space<semaphore_mem>>) {add = true}
      %ge3A_341 = arith.constant 1 : i32
      %ge3A_342 = arith.cmpi sge, %add3A_303, %ge3A_341 : i32
      %convert_element_type3A_343 = arith.extui %ge3A_342 : i1 to i32
      %cond3A_344 = arith.constant 0 : i32
      %cond3A_345 = arith.cmpi ne, %convert_element_type3A_343, %cond3A_344 : i32
      scf.if %cond3A_345 {
        %sub3A = arith.constant 1 : i32
        %sub3A_353 = arith.subi %add3A_303, %sub3A : i32
        %dma_wait3A_354 = arith.constant 2 : i32
        %dma_wait3A_355 = arith.constant 0 : i32
        %dma_wait3A_356 = arith.constant 0 : i32
        %dma_wait3A_357 = tpu.memref_slice %arg8[%dma_wait3A_354, %dma_wait3A_355, %dma_wait3A_356] : memref<4x200x128xf32, #tpu.memory_space<vmem>> -> memref<1x200x128xf32, #tpu.memory_space<vmem>>
        %dma_wait3A_358 = tpu.memref_squeeze %dma_wait3A_357 : memref<1x200x128xf32, #tpu.memory_space<vmem>> -> memref<200x128xf32, #tpu.memory_space<vmem>>
        %dma_wait3A_359 = arith.constant 0 : i32
        %dma_wait3A_360 = arith.constant 0 : i32
        %dma_wait3A_361 = tpu.memref_slice %dma_wait3A_358[%dma_wait3A_359, %dma_wait3A_360] : memref<200x128xf32, #tpu.memory_space<vmem>> -> memref<104x128xf32, #tpu.memory_space<vmem>>
        %dma_wait3A_362 = arith.constant 0 : i32
        %dma_wait3A_363 = tpu.memref_slice %arg6[%sub3A_353, %dma_wait3A_362] : memref<128x200xi32, #tpu.memory_space<vmem>> -> memref<1x104xi32, #tpu.memory_space<vmem>>
        %dma_wait3A_364 = tpu.memref_squeeze %dma_wait3A_363 : memref<1x104xi32, #tpu.memory_space<vmem>> -> memref<104xi32, #tpu.memory_space<vmem>>
        %dma_wait3A_365 = arith.constant 0 : i32
        %dma_wait3A_366 = arith.constant 0 : i32
        %dma_wait3A_367 = tpu.memref_slice %arg3[%dma_wait3A_365, %dma_wait3A_366] : memref<1000000x128xf32, #tpu.memory_space<hbm>> -> memref<1000000x128xf32, #tpu.memory_space<hbm>>
        tpu.wait_indirect_dma semaphore(%arg19 : memref<!tpu.dma_semaphore, #tpu.memory_space<semaphore_mem>>) src(%dma_wait3A_367 : memref<1000000x128xf32, #tpu.memory_space<hbm>>) dst(%dma_wait3A_361 : memref<104x128xf32, #tpu.memory_space<vmem>>)
        %dma_wait3A_368 = arith.constant 2 : i32
        %dma_wait3A_369 = arith.constant 0 : i32
        %dma_wait3A_370 = arith.constant 0 : i32
        %dma_wait3A_371 = tpu.memref_slice %arg8[%dma_wait3A_368, %dma_wait3A_369, %dma_wait3A_370] : memref<4x200x128xf32, #tpu.memory_space<vmem>> -> memref<1x200x128xf32, #tpu.memory_space<vmem>>
        %dma_wait3A_372 = tpu.memref_squeeze %dma_wait3A_371 : memref<1x200x128xf32, #tpu.memory_space<vmem>> -> memref<200x128xf32, #tpu.memory_space<vmem>>
        %dma_wait3A_373 = arith.constant 104 : i32
        %dma_wait3A_374 = arith.constant 0 : i32
        %dma_wait3A_375 = tpu.memref_slice %dma_wait3A_372[%dma_wait3A_373, %dma_wait3A_374] : memref<200x128xf32, #tpu.memory_space<vmem>> -> memref<96x128xf32, #tpu.memory_space<vmem>>
        %dma_wait3A_376 = arith.constant 104 : i32
        %dma_wait3A_377 = tpu.memref_slice %arg6[%sub3A_353, %dma_wait3A_376] : memref<128x200xi32, #tpu.memory_space<vmem>> -> memref<1x96xi32, #tpu.memory_space<vmem>>
        %dma_wait3A_378 = tpu.memref_squeeze %dma_wait3A_377 : memref<1x96xi32, #tpu.memory_space<vmem>> -> memref<96xi32, #tpu.memory_space<vmem>>
        %dma_wait3A_379 = arith.constant 0 : i32
        %dma_wait3A_380 = arith.constant 0 : i32
        %dma_wait3A_381 = tpu.memref_slice %arg3[%dma_wait3A_379, %dma_wait3A_380] : memref<1000000x128xf32, #tpu.memory_space<hbm>> -> memref<1000000x128xf32, #tpu.memory_space<hbm>>
        tpu.wait_indirect_dma semaphore(%arg19 : memref<!tpu.dma_semaphore, #tpu.memory_space<semaphore_mem>>) src(%dma_wait3A_381 : memref<1000000x128xf32, #tpu.memory_space<hbm>>) dst(%dma_wait3A_375 : memref<96x128xf32, #tpu.memory_space<vmem>>)
        %add3A_382 = arith.addi %mul3A_2, %sub3A_353 : i32
        %dma_start3A_383 = arith.constant 2 : i32
        %dma_start3A_384 = arith.constant 0 : i32
        %dma_start3A_385 = arith.constant 0 : i32
        %dma_start3A_386 = tpu.memref_slice %arg8[%dma_start3A_383, %dma_start3A_384, %dma_start3A_385] : memref<4x200x128xf32, #tpu.memory_space<vmem>> -> memref<1x200x64xf32, #tpu.memory_space<vmem>>
        %dma_start3A_387 = tpu.memref_squeeze %dma_start3A_386 : memref<1x200x64xf32, #tpu.memory_space<vmem>> -> memref<200x64xf32, #tpu.memory_space<vmem>>
        %dma_start3A_388 = arith.constant 0 : i32
        %dma_start3A_389 = arith.constant 0 : i32
        %dma_start3A_390 = tpu.memref_slice %arg5[%add3A_382, %dma_start3A_388, %dma_start3A_389] : memref<4096x200x128xf32, #tpu.memory_space<hbm>> -> memref<1x200x64xf32, #tpu.memory_space<hbm>>
        %dma_start3A_391 = tpu.memref_squeeze %dma_start3A_390 : memref<1x200x64xf32, #tpu.memory_space<hbm>> -> memref<200x64xf32, #tpu.memory_space<hbm>>
        %dma_start3A_392 = arith.constant 0 : i32
        %dma_start3A_393 = arith.constant 0 : i32
        %dma_start3A_394 = tpu.memref_slice %arg5[%add3A_382, %dma_start3A_392, %dma_start3A_393] : memref<4096x200x128xf32, #tpu.memory_space<hbm>> -> memref<1x200x64xf32, #tpu.memory_space<hbm>>
        %dma_start3A_395 = tpu.memref_squeeze %dma_start3A_394 : memref<1x200x64xf32, #tpu.memory_space<hbm>> -> memref<200x64xf32, #tpu.memory_space<hbm>>
        %dma_start3A_396 = arith.constant 0 : i32
        %dma_start3A_397 = arith.constant 0 : i32
        %dma_start3A_398 = tpu.memref_slice %arg8[%dma_start3A_383, %dma_start3A_396, %dma_start3A_397] : memref<4x200x128xf32, #tpu.memory_space<vmem>> -> memref<1x200x64xf32, #tpu.memory_space<vmem>>
        %dma_start3A_399 = tpu.memref_squeeze %dma_start3A_398 : memref<1x200x64xf32, #tpu.memory_space<vmem>> -> memref<200x64xf32, #tpu.memory_space<vmem>>
        tpu.enqueue_dma source(%dma_start3A_399 : memref<200x64xf32, #tpu.memory_space<vmem>>) target(%dma_start3A_395 : memref<200x64xf32, #tpu.memory_space<hbm>>) target_semaphore(%arg15 : memref<!tpu.dma_semaphore, #tpu.memory_space<semaphore_mem>>)
      } else {
      }
      %add3A_346 = arith.constant 1 : i32
      %add3A_347 = arith.addi %add3A_303, %add3A_346 : i32
      %lt3A_348 = arith.constant 128 : i32
      %lt3A_349 = arith.cmpi slt, %add3A_347, %lt3A_348 : i32
      %convert_element_type3A_350 = arith.extui %lt3A_349 : i1 to i32
      %cond3A_351 = arith.constant 0 : i32
      %cond3A_352 = arith.cmpi ne, %convert_element_type3A_350, %cond3A_351 : i32
      scf.if %cond3A_352 {
        %add3A_353 = arith.constant 1 : i32
        %add3A_354 = arith.addi %add3A_303, %add3A_353 : i32
        %ge3A_355 = arith.constant 4 : i32
        %ge3A_356 = arith.cmpi sge, %add3A_354, %ge3A_355 : i32
        %convert_element_type3A_357 = arith.extui %ge3A_356 : i1 to i32
        %cond3A_358 = arith.constant 0 : i32
        %cond3A_359 = arith.cmpi ne, %convert_element_type3A_357, %cond3A_358 : i32
        scf.if %cond3A_359 {
          %add3A_369 = arith.addi %mul3A_2, %add3A_303 : i32
          %dma_wait3A_370 = arith.constant 0 : i32
          %dma_wait3A_371 = arith.constant 0 : i32
          %dma_wait3A_372 = arith.constant 0 : i32
          %dma_wait3A_373 = tpu.memref_slice %arg8[%dma_wait3A_370, %dma_wait3A_371, %dma_wait3A_372] : memref<4x200x128xf32, #tpu.memory_space<vmem>> -> memref<1x200x64xf32, #tpu.memory_space<vmem>>
          %dma_wait3A_374 = tpu.memref_squeeze %dma_wait3A_373 : memref<1x200x64xf32, #tpu.memory_space<vmem>> -> memref<200x64xf32, #tpu.memory_space<vmem>>
          %dma_wait3A_375 = arith.constant 0 : i32
          %dma_wait3A_376 = arith.constant 0 : i32
          %dma_wait3A_377 = tpu.memref_slice %arg5[%add3A_369, %dma_wait3A_375, %dma_wait3A_376] : memref<4096x200x128xf32, #tpu.memory_space<hbm>> -> memref<1x200x64xf32, #tpu.memory_space<hbm>>
          %dma_wait3A_378 = tpu.memref_squeeze %dma_wait3A_377 : memref<1x200x64xf32, #tpu.memory_space<hbm>> -> memref<200x64xf32, #tpu.memory_space<hbm>>
          %dma_wait3A_379 = arith.constant 0 : i32
          %dma_wait3A_380 = arith.constant 0 : i32
          %dma_wait3A_381 = tpu.memref_slice %arg5[%add3A_369, %dma_wait3A_379, %dma_wait3A_380] : memref<4096x200x128xf32, #tpu.memory_space<hbm>> -> memref<1x200x64xf32, #tpu.memory_space<hbm>>
          %dma_wait3A_382 = tpu.memref_squeeze %dma_wait3A_381 : memref<1x200x64xf32, #tpu.memory_space<hbm>> -> memref<200x64xf32, #tpu.memory_space<hbm>>
          %dma_wait3A_383 = arith.constant 0 : i32
          %dma_wait3A_384 = arith.constant 0 : i32
          %dma_wait3A_385 = tpu.memref_slice %arg8[%dma_wait3A_370, %dma_wait3A_383, %dma_wait3A_384] : memref<4x200x128xf32, #tpu.memory_space<vmem>> -> memref<1x200x64xf32, #tpu.memory_space<vmem>>
          %dma_wait3A_386 = tpu.memref_squeeze %dma_wait3A_385 : memref<1x200x64xf32, #tpu.memory_space<vmem>> -> memref<200x64xf32, #tpu.memory_space<vmem>>
          tpu.wait_dma2 semaphore(%arg13 : memref<!tpu.dma_semaphore, #tpu.memory_space<semaphore_mem>>) src(%dma_wait3A_386 : memref<200x64xf32, #tpu.memory_space<vmem>>) dst(%dma_wait3A_382 : memref<200x64xf32, #tpu.memory_space<hbm>>)
        } else {
        }
        %dma_start3A_360 = arith.constant 0 : i32
        %dma_start3A_361 = arith.constant 0 : i32
        %dma_start3A_362 = arith.constant 0 : i32
        %dma_start3A_363 = tpu.memref_slice %arg8[%dma_start3A_360, %dma_start3A_361, %dma_start3A_362] : memref<4x200x128xf32, #tpu.memory_space<vmem>> -> memref<1x200x64xf32, #tpu.memory_space<vmem>>
        %dma_start3A_364 = tpu.memref_squeeze %dma_start3A_363 : memref<1x200x64xf32, #tpu.memory_space<vmem>> -> memref<200x64xf32, #tpu.memory_space<vmem>>
        %dma_start3A_365 = arith.constant 0 : i32
        %dma_start3A_366 = arith.constant 0 : i32
        %dma_start3A_367 = tpu.memref_slice %arg8[%dma_start3A_360, %dma_start3A_365, %dma_start3A_366] : memref<4x200x128xf32, #tpu.memory_space<vmem>> -> memref<1x200x64xf32, #tpu.memory_space<vmem>>
        %dma_start3A_368 = tpu.memref_squeeze %dma_start3A_367 : memref<1x200x64xf32, #tpu.memory_space<vmem>> -> memref<200x64xf32, #tpu.memory_space<vmem>>
        tpu.enqueue_dma source(%arg7 : memref<200x64xf32, #tpu.memory_space<vmem_shared>>) target(%dma_start3A_368 : memref<200x64xf32, #tpu.memory_space<vmem>>) target_semaphore(%arg9 : memref<!tpu.dma_semaphore, #tpu.memory_space<semaphore_mem>>)
      } else {
      }
    }
    %scan3A_17 = arith.constant 32 : i32
    %dma_wait3A = arith.constant 127 : i32
    %dma_wait3A_18 = arith.constant 3 : i32
    %dma_wait3A_19 = arith.constant 0 : i32
    %dma_wait3A_20 = arith.constant 0 : i32
    %dma_wait3A_21 = tpu.memref_slice %arg8[%dma_wait3A_18, %dma_wait3A_19, %dma_wait3A_20] : memref<4x200x128xf32, #tpu.memory_space<vmem>> -> memref<1x200x128xf32, #tpu.memory_space<vmem>>
    %dma_wait3A_22 = tpu.memref_squeeze %dma_wait3A_21 : memref<1x200x128xf32, #tpu.memory_space<vmem>> -> memref<200x128xf32, #tpu.memory_space<vmem>>
    %dma_wait3A_23 = arith.constant 0 : i32
    %dma_wait3A_24 = arith.constant 0 : i32
    %dma_wait3A_25 = tpu.memref_slice %dma_wait3A_22[%dma_wait3A_23, %dma_wait3A_24] : memref<200x128xf32, #tpu.memory_space<vmem>> -> memref<104x128xf32, #tpu.memory_space<vmem>>
    %dma_wait3A_26 = arith.constant 0 : i32
    %dma_wait3A_27 = tpu.memref_slice %arg6[%dma_wait3A, %dma_wait3A_26] : memref<128x200xi32, #tpu.memory_space<vmem>> -> memref<1x104xi32, #tpu.memory_space<vmem>>
    %dma_wait3A_28 = tpu.memref_squeeze %dma_wait3A_27 : memref<1x104xi32, #tpu.memory_space<vmem>> -> memref<104xi32, #tpu.memory_space<vmem>>
    %dma_wait3A_29 = arith.constant 0 : i32
    %dma_wait3A_30 = arith.constant 0 : i32
    %dma_wait3A_31 = tpu.memref_slice %arg3[%dma_wait3A_29, %dma_wait3A_30] : memref<1000000x128xf32, #tpu.memory_space<hbm>> -> memref<1000000x128xf32, #tpu.memory_space<hbm>>
    tpu.wait_indirect_dma semaphore(%arg20 : memref<!tpu.dma_semaphore, #tpu.memory_space<semaphore_mem>>) src(%dma_wait3A_31 : memref<1000000x128xf32, #tpu.memory_space<hbm>>) dst(%dma_wait3A_25 : memref<104x128xf32, #tpu.memory_space<vmem>>)
    %dma_wait3A_32 = arith.constant 127 : i32
    %dma_wait3A_33 = arith.constant 3 : i32
    %dma_wait3A_34 = arith.constant 0 : i32
    %dma_wait3A_35 = arith.constant 0 : i32
    %dma_wait3A_36 = tpu.memref_slice %arg8[%dma_wait3A_33, %dma_wait3A_34, %dma_wait3A_35] : memref<4x200x128xf32, #tpu.memory_space<vmem>> -> memref<1x200x128xf32, #tpu.memory_space<vmem>>
    %dma_wait3A_37 = tpu.memref_squeeze %dma_wait3A_36 : memref<1x200x128xf32, #tpu.memory_space<vmem>> -> memref<200x128xf32, #tpu.memory_space<vmem>>
    %dma_wait3A_38 = arith.constant 104 : i32
    %dma_wait3A_39 = arith.constant 0 : i32
    %dma_wait3A_40 = tpu.memref_slice %dma_wait3A_37[%dma_wait3A_38, %dma_wait3A_39] : memref<200x128xf32, #tpu.memory_space<vmem>> -> memref<96x128xf32, #tpu.memory_space<vmem>>
    %dma_wait3A_41 = arith.constant 104 : i32
    %dma_wait3A_42 = tpu.memref_slice %arg6[%dma_wait3A_32, %dma_wait3A_41] : memref<128x200xi32, #tpu.memory_space<vmem>> -> memref<1x96xi32, #tpu.memory_space<vmem>>
    %dma_wait3A_43 = tpu.memref_squeeze %dma_wait3A_42 : memref<1x96xi32, #tpu.memory_space<vmem>> -> memref<96xi32, #tpu.memory_space<vmem>>
    %dma_wait3A_44 = arith.constant 0 : i32
    %dma_wait3A_45 = arith.constant 0 : i32
    %dma_wait3A_46 = tpu.memref_slice %arg3[%dma_wait3A_44, %dma_wait3A_45] : memref<1000000x128xf32, #tpu.memory_space<hbm>> -> memref<1000000x128xf32, #tpu.memory_space<hbm>>
    tpu.wait_indirect_dma semaphore(%arg20 : memref<!tpu.dma_semaphore, #tpu.memory_space<semaphore_mem>>) src(%dma_wait3A_46 : memref<1000000x128xf32, #tpu.memory_space<hbm>>) dst(%dma_wait3A_40 : memref<96x128xf32, #tpu.memory_space<vmem>>)
    %add3A_47 = arith.constant 127 : i32
    %add3A_48 = arith.addi %mul3A_2, %add3A_47 : i32
    %dma_start3A_49 = arith.constant 3 : i32
    %dma_start3A_50 = arith.constant 0 : i32
    %dma_start3A_51 = arith.constant 0 : i32
    %dma_start3A_52 = tpu.memref_slice %arg8[%dma_start3A_49, %dma_start3A_50, %dma_start3A_51] : memref<4x200x128xf32, #tpu.memory_space<vmem>> -> memref<1x200x64xf32, #tpu.memory_space<vmem>>
    %dma_start3A_53 = tpu.memref_squeeze %dma_start3A_52 : memref<1x200x64xf32, #tpu.memory_space<vmem>> -> memref<200x64xf32, #tpu.memory_space<vmem>>
    %dma_start3A_54 = arith.constant 0 : i32
    %dma_start3A_55 = arith.constant 0 : i32
    %dma_start3A_56 = tpu.memref_slice %arg5[%add3A_48, %dma_start3A_54, %dma_start3A_55] : memref<4096x200x128xf32, #tpu.memory_space<hbm>> -> memref<1x200x64xf32, #tpu.memory_space<hbm>>
    %dma_start3A_57 = tpu.memref_squeeze %dma_start3A_56 : memref<1x200x64xf32, #tpu.memory_space<hbm>> -> memref<200x64xf32, #tpu.memory_space<hbm>>
    %dma_start3A_58 = arith.constant 0 : i32
    %dma_start3A_59 = arith.constant 0 : i32
    %dma_start3A_60 = tpu.memref_slice %arg5[%add3A_48, %dma_start3A_58, %dma_start3A_59] : memref<4096x200x128xf32, #tpu.memory_space<hbm>> -> memref<1x200x64xf32, #tpu.memory_space<hbm>>
    %dma_start3A_61 = tpu.memref_squeeze %dma_start3A_60 : memref<1x200x64xf32, #tpu.memory_space<hbm>> -> memref<200x64xf32, #tpu.memory_space<hbm>>
    %dma_start3A_62 = arith.constant 0 : i32
    %dma_start3A_63 = arith.constant 0 : i32
    %dma_start3A_64 = tpu.memref_slice %arg8[%dma_start3A_49, %dma_start3A_62, %dma_start3A_63] : memref<4x200x128xf32, #tpu.memory_space<vmem>> -> memref<1x200x64xf32, #tpu.memory_space<vmem>>
    %dma_start3A_65 = tpu.memref_squeeze %dma_start3A_64 : memref<1x200x64xf32, #tpu.memory_space<vmem>> -> memref<200x64xf32, #tpu.memory_space<vmem>>
    tpu.enqueue_dma source(%dma_start3A_65 : memref<200x64xf32, #tpu.memory_space<vmem>>) target(%dma_start3A_61 : memref<200x64xf32, #tpu.memory_space<hbm>>) target_semaphore(%arg16 : memref<!tpu.dma_semaphore, #tpu.memory_space<semaphore_mem>>)
    %add3A_66 = arith.constant 124 : i32
    %add3A_67 = arith.addi %mul3A_2, %add3A_66 : i32
    %dma_wait3A_68 = arith.constant 0 : i32
    %dma_wait3A_69 = arith.constant 0 : i32
    %dma_wait3A_70 = arith.constant 0 : i32
    %dma_wait3A_71 = tpu.memref_slice %arg8[%dma_wait3A_68, %dma_wait3A_69, %dma_wait3A_70] : memref<4x200x128xf32, #tpu.memory_space<vmem>> -> memref<1x200x64xf32, #tpu.memory_space<vmem>>
    %dma_wait3A_72 = tpu.memref_squeeze %dma_wait3A_71 : memref<1x200x64xf32, #tpu.memory_space<vmem>> -> memref<200x64xf32, #tpu.memory_space<vmem>>
    %dma_wait3A_73 = arith.constant 0 : i32
    %dma_wait3A_74 = arith.constant 0 : i32
    %dma_wait3A_75 = tpu.memref_slice %arg5[%add3A_67, %dma_wait3A_73, %dma_wait3A_74] : memref<4096x200x128xf32, #tpu.memory_space<hbm>> -> memref<1x200x64xf32, #tpu.memory_space<hbm>>
    %dma_wait3A_76 = tpu.memref_squeeze %dma_wait3A_75 : memref<1x200x64xf32, #tpu.memory_space<hbm>> -> memref<200x64xf32, #tpu.memory_space<hbm>>
    %dma_wait3A_77 = arith.constant 0 : i32
    %dma_wait3A_78 = arith.constant 0 : i32
    %dma_wait3A_79 = tpu.memref_slice %arg5[%add3A_67, %dma_wait3A_77, %dma_wait3A_78] : memref<4096x200x128xf32, #tpu.memory_space<hbm>> -> memref<1x200x64xf32, #tpu.memory_space<hbm>>
    %dma_wait3A_80 = tpu.memref_squeeze %dma_wait3A_79 : memref<1x200x64xf32, #tpu.memory_space<hbm>> -> memref<200x64xf32, #tpu.memory_space<hbm>>
    %dma_wait3A_81 = arith.constant 0 : i32
    %dma_wait3A_82 = arith.constant 0 : i32
    %dma_wait3A_83 = tpu.memref_slice %arg8[%dma_wait3A_68, %dma_wait3A_81, %dma_wait3A_82] : memref<4x200x128xf32, #tpu.memory_space<vmem>> -> memref<1x200x64xf32, #tpu.memory_space<vmem>>
    %dma_wait3A_84 = tpu.memref_squeeze %dma_wait3A_83 : memref<1x200x64xf32, #tpu.memory_space<vmem>> -> memref<200x64xf32, #tpu.memory_space<vmem>>
    tpu.wait_dma2 semaphore(%arg13 : memref<!tpu.dma_semaphore, #tpu.memory_space<semaphore_mem>>) src(%dma_wait3A_84 : memref<200x64xf32, #tpu.memory_space<vmem>>) dst(%dma_wait3A_80 : memref<200x64xf32, #tpu.memory_space<hbm>>)
    %add3A_85 = arith.constant 125 : i32
    %add3A_86 = arith.addi %mul3A_2, %add3A_85 : i32
    %dma_wait3A_87 = arith.constant 1 : i32
    %dma_wait3A_88 = arith.constant 0 : i32
    %dma_wait3A_89 = arith.constant 0 : i32
    %dma_wait3A_90 = tpu.memref_slice %arg8[%dma_wait3A_87, %dma_wait3A_88, %dma_wait3A_89] : memref<4x200x128xf32, #tpu.memory_space<vmem>> -> memref<1x200x64xf32, #tpu.memory_space<vmem>>
    %dma_wait3A_91 = tpu.memref_squeeze %dma_wait3A_90 : memref<1x200x64xf32, #tpu.memory_space<vmem>> -> memref<200x64xf32, #tpu.memory_space<vmem>>
    %dma_wait3A_92 = arith.constant 0 : i32
    %dma_wait3A_93 = arith.constant 0 : i32
    %dma_wait3A_94 = tpu.memref_slice %arg5[%add3A_86, %dma_wait3A_92, %dma_wait3A_93] : memref<4096x200x128xf32, #tpu.memory_space<hbm>> -> memref<1x200x64xf32, #tpu.memory_space<hbm>>
    %dma_wait3A_95 = tpu.memref_squeeze %dma_wait3A_94 : memref<1x200x64xf32, #tpu.memory_space<hbm>> -> memref<200x64xf32, #tpu.memory_space<hbm>>
    %dma_wait3A_96 = arith.constant 0 : i32
    %dma_wait3A_97 = arith.constant 0 : i32
    %dma_wait3A_98 = tpu.memref_slice %arg5[%add3A_86, %dma_wait3A_96, %dma_wait3A_97] : memref<4096x200x128xf32, #tpu.memory_space<hbm>> -> memref<1x200x64xf32, #tpu.memory_space<hbm>>
    %dma_wait3A_99 = tpu.memref_squeeze %dma_wait3A_98 : memref<1x200x64xf32, #tpu.memory_space<hbm>> -> memref<200x64xf32, #tpu.memory_space<hbm>>
    %dma_wait3A_100 = arith.constant 0 : i32
    %dma_wait3A_101 = arith.constant 0 : i32
    %dma_wait3A_102 = tpu.memref_slice %arg8[%dma_wait3A_87, %dma_wait3A_100, %dma_wait3A_101] : memref<4x200x128xf32, #tpu.memory_space<vmem>> -> memref<1x200x64xf32, #tpu.memory_space<vmem>>
    %dma_wait3A_103 = tpu.memref_squeeze %dma_wait3A_102 : memref<1x200x64xf32, #tpu.memory_space<vmem>> -> memref<200x64xf32, #tpu.memory_space<vmem>>
    tpu.wait_dma2 semaphore(%arg14 : memref<!tpu.dma_semaphore, #tpu.memory_space<semaphore_mem>>) src(%dma_wait3A_103 : memref<200x64xf32, #tpu.memory_space<vmem>>) dst(%dma_wait3A_99 : memref<200x64xf32, #tpu.memory_space<hbm>>)
    %add3A_104 = arith.constant 126 : i32
    %add3A_105 = arith.addi %mul3A_2, %add3A_104 : i32
    %dma_wait3A_106 = arith.constant 2 : i32
    %dma_wait3A_107 = arith.constant 0 : i32
    %dma_wait3A_108 = arith.constant 0 : i32
    %dma_wait3A_109 = tpu.memref_slice %arg8[%dma_wait3A_106, %dma_wait3A_107, %dma_wait3A_108] : memref<4x200x128xf32, #tpu.memory_space<vmem>> -> memref<1x200x64xf32, #tpu.memory_space<vmem>>
    %dma_wait3A_110 = tpu.memref_squeeze %dma_wait3A_109 : memref<1x200x64xf32, #tpu.memory_space<vmem>> -> memref<200x64xf32, #tpu.memory_space<vmem>>
    %dma_wait3A_111 = arith.constant 0 : i32
    %dma_wait3A_112 = arith.constant 0 : i32
    %dma_wait3A_113 = tpu.memref_slice %arg5[%add3A_105, %dma_wait3A_111, %dma_wait3A_112] : memref<4096x200x128xf32, #tpu.memory_space<hbm>> -> memref<1x200x64xf32, #tpu.memory_space<hbm>>
    %dma_wait3A_114 = tpu.memref_squeeze %dma_wait3A_113 : memref<1x200x64xf32, #tpu.memory_space<hbm>> -> memref<200x64xf32, #tpu.memory_space<hbm>>
    %dma_wait3A_115 = arith.constant 0 : i32
    %dma_wait3A_116 = arith.constant 0 : i32
    %dma_wait3A_117 = tpu.memref_slice %arg5[%add3A_105, %dma_wait3A_115, %dma_wait3A_116] : memref<4096x200x128xf32, #tpu.memory_space<hbm>> -> memref<1x200x64xf32, #tpu.memory_space<hbm>>
    %dma_wait3A_118 = tpu.memref_squeeze %dma_wait3A_117 : memref<1x200x64xf32, #tpu.memory_space<hbm>> -> memref<200x64xf32, #tpu.memory_space<hbm>>
    %dma_wait3A_119 = arith.constant 0 : i32
    %dma_wait3A_120 = arith.constant 0 : i32
    %dma_wait3A_121 = tpu.memref_slice %arg8[%dma_wait3A_106, %dma_wait3A_119, %dma_wait3A_120] : memref<4x200x128xf32, #tpu.memory_space<vmem>> -> memref<1x200x64xf32, #tpu.memory_space<vmem>>
    %dma_wait3A_122 = tpu.memref_squeeze %dma_wait3A_121 : memref<1x200x64xf32, #tpu.memory_space<vmem>> -> memref<200x64xf32, #tpu.memory_space<vmem>>
    tpu.wait_dma2 semaphore(%arg15 : memref<!tpu.dma_semaphore, #tpu.memory_space<semaphore_mem>>) src(%dma_wait3A_122 : memref<200x64xf32, #tpu.memory_space<vmem>>) dst(%dma_wait3A_118 : memref<200x64xf32, #tpu.memory_space<hbm>>)
    %add3A_123 = arith.constant 127 : i32
    %add3A_124 = arith.addi %mul3A_2, %add3A_123 : i32
    %dma_wait3A_125 = arith.constant 3 : i32
    %dma_wait3A_126 = arith.constant 0 : i32
    %dma_wait3A_127 = arith.constant 0 : i32
    %dma_wait3A_128 = tpu.memref_slice %arg8[%dma_wait3A_125, %dma_wait3A_126, %dma_wait3A_127] : memref<4x200x128xf32, #tpu.memory_space<vmem>> -> memref<1x200x64xf32, #tpu.memory_space<vmem>>
    %dma_wait3A_129 = tpu.memref_squeeze %dma_wait3A_128 : memref<1x200x64xf32, #tpu.memory_space<vmem>> -> memref<200x64xf32, #tpu.memory_space<vmem>>
    %dma_wait3A_130 = arith.constant 0 : i32
    %dma_wait3A_131 = arith.constant 0 : i32
    %dma_wait3A_132 = tpu.memref_slice %arg5[%add3A_124, %dma_wait3A_130, %dma_wait3A_131] : memref<4096x200x128xf32, #tpu.memory_space<hbm>> -> memref<1x200x64xf32, #tpu.memory_space<hbm>>
    %dma_wait3A_133 = tpu.memref_squeeze %dma_wait3A_132 : memref<1x200x64xf32, #tpu.memory_space<hbm>> -> memref<200x64xf32, #tpu.memory_space<hbm>>
    %dma_wait3A_134 = arith.constant 0 : i32
    %dma_wait3A_135 = arith.constant 0 : i32
    %dma_wait3A_136 = tpu.memref_slice %arg5[%add3A_124, %dma_wait3A_134, %dma_wait3A_135] : memref<4096x200x128xf32, #tpu.memory_space<hbm>> -> memref<1x200x64xf32, #tpu.memory_space<hbm>>
    %dma_wait3A_137 = tpu.memref_squeeze %dma_wait3A_136 : memref<1x200x64xf32, #tpu.memory_space<hbm>> -> memref<200x64xf32, #tpu.memory_space<hbm>>
    %dma_wait3A_138 = arith.constant 0 : i32
    %dma_wait3A_139 = arith.constant 0 : i32
    %dma_wait3A_140 = tpu.memref_slice %arg8[%dma_wait3A_125, %dma_wait3A_138, %dma_wait3A_139] : memref<4x200x128xf32, #tpu.memory_space<vmem>> -> memref<1x200x64xf32, #tpu.memory_space<vmem>>
    %dma_wait3A_141 = tpu.memref_squeeze %dma_wait3A_140 : memref<1x200x64xf32, #tpu.memory_space<vmem>> -> memref<200x64xf32, #tpu.memory_space<vmem>>
    tpu.wait_dma2 semaphore(%arg16 : memref<!tpu.dma_semaphore, #tpu.memory_space<semaphore_mem>>) src(%dma_wait3A_141 : memref<200x64xf32, #tpu.memory_space<vmem>>) dst(%dma_wait3A_137 : memref<200x64xf32, #tpu.memory_space<hbm>>)
    return
  }
}

module attributes {stable_mosaic.version = 14 : i64} {
  func.func @body(%arg0: i32, %arg1: memref<64x16384xf32, #tpu.memory_space<vmem>>, %arg2: memref<16384x128xf32, #tpu.memory_space<vmem>>) attributes {dimension_semantics = [#tpu.dimension_semantics<arbitrary>], iteration_bounds = array<i64: 62>, scalar_prefetch = 0 : i64, scratch_operands = 0 : i64, tpu.core_type = #tpu.core_type<tc>, window_params = [{transform_indices = @transform_0, window_bounds = array<i64: 64, 16384>}, {transform_indices = @transform_1, window_bounds = array<i64: 16384, 128>}]} {
    %get3A = arith.constant 0 : index
    %get3A_0 = arith.constant 0 : index
    %get3A_1 = vector.load %arg1[%get3A, %get3A_0] : memref<64x16384xf32, #tpu.memory_space<vmem>>, vector<64x16384xf32>
    %transpose3A = tpu.transpose %get3A_1, [1, 0] : vector<64x16384xf32> -> vector<16384x64xf32>
    %swap3A = arith.constant 0 : index
    %swap3A_2 = arith.constant 0 : index
    %swap3A_3 = vector.load %arg2[%swap3A, %swap3A_2] : memref<16384x128xf32, #tpu.memory_space<vmem>>, vector<16384x64xf32>
    tpu.vector_store %arg2[%swap3A, %swap3A_2], %transpose3A {strides = array<i32>} : memref<16384x128xf32, #tpu.memory_space<vmem>>, vector<16384x64xf32>,
    return
  }
  func.func @transform_0(%arg0: i32) -> (i32, i32) {
    %c0_i32 = arith.constant 0 : i32
    %c0_i32_0 = arith.constant 0 : i32
    return %c0_i32, %arg0 : i32, i32
  }
  func.func @transform_1(%arg0: i32) -> (i32, i32) {
    %c0_i32 = arith.constant 0 : i32
    %c0_i32_0 = arith.constant 0 : i32
    return %arg0, %c0_i32 : i32, i32
  }
}

</mosaic_0001>

<sc_bundles>
// kernel: kernel.4.cloned.1.call-start
scs
__scs_entry_jumppad:
0x0: {  	(pc) =	sbr.rel $0x88, $3  }
0x1: {  	(tag) =	ssettag $0x0;
	lr =	simm.s32 $0x1  }
0x2: {  	[smem:$0x3F9E] =	sst lr;
	_ =	strace $0xD0000000  }
0x3: {  	_ = 	snop  }
0x4: {  	_ = 	snop  }
0x5: {  	_ = 	snop  }
0x6: {  	_ = 	snop  }
0x7: {  	_ = 	snop  }
__scs_overlays_trampoline_lowered:
0x8: {  	[smem:$0x3FAD] =	sst s0  }
0x9: {  	[smem:$0x3FAE] =	sst s1  }
0xa: {  	[smem:$0x3FAF] =	sst s2  }
0xb: {  	[smem:$0x3FB0] =	sst s3  }
0xc: {  	[smem:$0x3FB1] =	sst s4  }
0xd: {  	[smem:$0x3FB2] =	sst s5  }
0xe: {  	[smem:$0x3FB3] =	sst s6  }
0xf: {  	[smem:$0x3FB4] =	sst s7  }
0x10: {  	[smem:$0x3FB5] =	sst s8  }
0x11: {  	[smem:$0x3FB6] =	sst s9;
	s0 =	simm.s32 @!p0 $0x0  }
0x12: {  	s1 =	sld [smem:$0x3F9C];
	s0 =	simm.s32 @p0 $0x1  }
0x13: {  	[smem:$0x3FB7] =	sst s0;
	s0 =	simm.s32 @!p1 $0x0  }
0x14: {  	s2 =	sld [smem:$0x3F9B];
	s0 =	simm.s32 @p1 $0x1  }
0x15: {  	[smem:$0x3FB8] =	sst s0;
	s0 =	simm.s32 @!p2 $0x0  }
0x16: {  	s3 =	sld [smem:$0x3FDB];
	s0 =	simm.s32 @p2 $0x1  }
0x17: {  	s4 =	simm.s32 $0x1BF5;
	[smem:$0x3FBA] =	sst s0  }
0x18: {  	s0 =	sld [smem:$0x3F9D];
	_ =	swait.ge [sflag:s4], $0x0  }
0x19: {  	s7 =	sld [smem:$0x3F9E]  }
0x1a: {  	s8 =	sadd.s32 $0xFFFFE003, lr  }
0x1b: {  	s9 =	sadd.s32 $0xFFFFFEF7, lr;
	s5 =	simm.s32 $0xFFFFFFFF;
	p2 =	slt.u32 s8, $0xFFFFF086  }
0x1c: {  	p1 =	slt.u32 s9, $0xF7A;
	s5 =	simm.s32 @!p2 $0x0  }
0x1d: {  	s5 =	simm.s32 @p1 $0x1;
	p0 =	seq.s32 s7, s2  }
0x1e: {  	s7 =	smul.u32 @!p0 $0xF7A, s2;
	p2 =	seq.s32 @!p0 s5, $0x0  }
0x1f: {  	s9 =	smul.u32 $0xF7A, s1;
	s8 =	simm.s32 @!p0 $0x1BF5;
	p2 =	por !p2, p0  }
0x20: {  	[sflag:s8] =	ssyncset.s32 @!p0 $0xFFFFF086;
	s6 =	sadd.s32 @!p0 s3, s7;
	s7 =	simm.s32 @!p0 $0x108  }
0x21: {  	s3 =	sadd.s32 s3, s9;
	s6 =	sadd.s32 @!p0 $0x88, s6;
	s7 =	simm.s32 @p2 $0x1082  }
0x22: {  	[simem:s7], [sflag:s8] =	dma.local @!p0 [hbm:s6], $0xF7A  }
0x23: {  	s9 =	sor.u32 $0xD0000000, s2;
	s6 =	simm.s32 $0x108;
	_ =	swait.ge @!p0 [sflag:s8], $0x0  }
0x24: {  	s3 =	sadd.s32 $0x88, s3;
	s6 =	simm.s32 @!p1 $0x1082;
	[sflag:s4] =	ssyncset.s32 $0xFFFFF086  }
0x25: {  	[simem:s6], [sflag:s4] =	dma.local [hbm:s3], $0xF7A  }
0x26: {  	[smem:$0x3F9E] =	sst s1;
	(tag) =	ssettag s2;
	_ =	strace s9  }
0x27: {  	s1 =	sld [smem:$0x3FAE]  }
0x28: {  	s2 =	sld [smem:$0x3FAF]  }
0x29: {  	s4 =	sld [smem:$0x3FB1]  }
0x2a: {  	p0 =	seq.s32 s5, $0x0;
	s5 =	sld [smem:$0x3FB2]  }
0x2b: {  	s6 =	sld [smem:$0x3FB3]  }
0x2c: {  	s7 =	sld [smem:$0x3FB4]  }
0x2d: {  	s3 =	simm.s32 $0x108;
	s8 =	sld [smem:$0x3FB5]  }
0x2e: {  	s3 =	simm.s32 @!p0 $0x1082;
	s9 =	sld [smem:$0x3FB6]  }
0x2f: {  	lr =	sadd.s32 s0, s3;
	s0 =	sld [smem:$0x3FAD]  }
0x30: {  	s3 =	sld [smem:$0x3FB0]  }
0x31: {  	[smem:$0x3FB9] =	sst s10  }
0x32: {  	s10 =	sld [smem:$0x3FB7];
	_ =	sdelay $0x3  }
0x33: {  	p0 =	seq.s32 s10, $0x1;
	s10 =	sld [smem:$0x3FB9];
	_ =	sdelay $0x3  }
0x34: {  	[smem:$0x3FB9] =	sst s10  }
0x35: {  	s10 =	sld [smem:$0x3FB8];
	_ =	sdelay $0x3  }
0x36: {  	p1 =	seq.s32 s10, $0x1;
	s10 =	sld [smem:$0x3FB9];
	_ =	sdelay $0x3  }
0x37: {  	[smem:$0x3FB9] =	sst s10  }
0x38: {  	s10 =	sld [smem:$0x3FBA]  }
0x39: {  	_ = 	snop;
	(pc) =	sbr.ind lr, $3  }
0x3a: {  	_ = 	snop  }
0x3b: {  	_ = 	snop  }
0x3c: {  	p2 =	seq.s32 s10, $0x1;
	s10 =	sld [smem:$0x3FB9]  }
0x3d: {  	_ =	shalt  }
0x3e: {  	_ =	shalt  }
0x3f: {  	_ =	shalt  }
0x40: {  	_ =	shalt  }
0x41: {  	_ =	shalt  }
0x42: {  	_ =	shalt  }
0x43: {  	_ =	shalt  }
0x44: {  	_ =	shalt  }
0x45: {  	_ =	shalt  }
0x46: {  	_ =	shalt  }
0x47: {  	_ =	shalt  }
0x48: {  	_ =	shalt  }
0x49: {  	_ =	shalt  }
0x4a: {  	_ =	shalt  }
0x4b: {  	_ =	shalt  }
0x4c: {  	_ =	shalt  }
0x4d: {  	_ =	shalt  }
0x4e: {  	_ =	shalt  }
0x4f: {  	_ =	shalt  }
0x50: {  	_ =	shalt  }
0x51: {  	_ =	shalt  }
0x52: {  	_ =	shalt  }
0x53: {  	_ =	shalt  }
0x54: {  	_ =	shalt  }
0x55: {  	_ =	shalt  }
0x56: {  	_ =	shalt  }
0x57: {  	_ =	shalt  }
0x58: {  	_ =	shalt  }
0x59: {  	_ =	shalt  }
0x5a: {  	_ =	shalt  }
0x5b: {  	_ =	shalt  }
0x5c: {  	_ =	shalt  }
0x5d: {  	_ =	shalt  }
0x5e: {  	_ =	shalt  }
0x5f: {  	_ =	shalt  }
0x60: {  	_ =	shalt  }
0x61: {  	_ =	shalt  }
0x62: {  	_ =	shalt  }
0x63: {  	_ =	shalt  }
0x64: {  	_ =	shalt  }
0x65: {  	_ =	shalt  }
0x66: {  	_ =	shalt  }
0x67: {  	_ =	shalt  }
0x68: {  	_ =	shalt  }
0x69: {  	_ =	shalt  }
0x6a: {  	_ =	shalt  }
0x6b: {  	_ =	shalt  }
0x6c: {  	_ =	shalt  }
0x6d: {  	_ =	shalt  }
0x6e: {  	_ =	shalt  }
0x6f: {  	_ =	shalt  }
0x70: {  	_ =	shalt  }
0x71: {  	_ =	shalt  }
0x72: {  	_ =	shalt  }
0x73: {  	_ =	shalt  }
0x74: {  	_ =	shalt  }
0x75: {  	_ =	shalt  }
0x76: {  	_ =	shalt  }
0x77: {  	_ =	shalt  }
0x78: {  	_ =	shalt  }
0x79: {  	_ =	shalt  }
0x7a: {  	_ =	shalt  }
0x7b: {  	_ =	shalt  }
0x7c: {  	_ =	shalt  }
0x7d: {  	_ =	shalt  }
0x7e: {  	_ =	shalt  }
0x7f: {  	_ =	shalt  }
0x80: {  	_ =	shalt  }
0x81: {  	_ =	shalt  }
0x82: {  	_ =	shalt  }
0x83: {  	_ =	shalt  }
0x84: {  	_ =	shalt  }
0x85: {  	_ =	shalt  }
0x86: {  	_ =	shalt  }
0x87: {  	_ =	shalt  }
.Lfunc_end0:
.L_simem_size_0:
called_computation.1_lowered:
.L_overlay_start_0:
0x88: {  	s2 =	sld [smem:$0x3FD9]  }
0x89: {  	s3 =	sld [smem:$0x3FFE];
	_ =	sdelay $0x1  }
0x8a: {  	s1 =	srdreg.scid  }
0x8b: {  	s0 =	sand.u32 $0x1, s1  }
0x8c: {  	s17 =	sshll.u32 s0, $0xA;
	s2 =	sadd.s32 s3, s2  }
0x8d: {  	s2 =	sadd.s32 s2, s17  }
0x8e: {  	[smem:$0x3FC5] =	sst s2  }
0x8f: {  	_ = 	snop  }
0x90: {  	s2 =	sld [smem:$0x3FD0];
	(tm) =	ssettm $0x1  }
0x91: {  	s18 =	sld [smem:$0x3FFB];
	_ =	sdelay $0x3  }
0x92: {  	_ =	strace s18  }
0x93: {  	s3 =	sld [smem:$0x3FFC];
	_ =	sdelay $0x3  }
0x94: {  	_ =	strace s3  }
0x95: {  	s3 =	sld [smem:$0x3FFD];
	_ =	sdelay $0x3  }
0x96: {  	_ =	strace s3  }
0x97: {  	_ =	strace $0x8FFFFFFF  }
0x98: {  	s19 =	sld [smem:$0x3FDB];
	_ =	sdelay $0x1  }
0x99: {  	s4 =	simm.s32 $_scs_section_size  }
0x9a: {  	s5 =	simm.s32 $_size__tile_overlayer_lowered;
	s6 =	simm.s32 $_tile_overlayer_lowered  }
0x9b: {  	s22 =	simm.s32 $0x1BFF;
	s21 =	sshll.u32 s6, $0x1;
	s3 =	sadd.s32 s4, s19  }
0x9c: {  	s7 =	simm.s32 $0x0;
	s20 =	sshll.u32 s5, $0x1;
	s5 =	sadd.s32 s21, s3  }
0x9d: {  	[timem:s7], [sflag:s22] =	dma.local [hbm:s5], s20  }
0x9e: {  	_ =	swait.ge [sflag:s22], s20  }
0x9f: {  	s4 =	ssub.s32 $0x0, s20;
	[sflag:s22] =	ssyncset.done $0x0  }
0xa0: {  	[sflag:s22] =	ssyncadd.s32 s4;
	_ =	sdelay $0x1  }
0xa1: {  	s23 =	simm.s32 $0x1B8B  }
0xa2: {  	_ =	swait.ge [sflag:s23], $0x1  }
0xa3: {  	[sflag:s23] =	ssyncset.done $0x0  }
0xa4: {  	s25 =	simm.s32 $0x1B8E;
	s24 =	sld [smem:$0x3FFE];
	[sflag:s23] =	ssyncadd.s32 $0xFFFFFFFF  }
0xa5: {  	s26 =	simm.s32 $execute0_lowered;
	[smem:$0x3FD2] =	sst s25  }
0xa6: {  	s5 =	sshll.u32 s26, $0x1;
	_ =	strace $0x80000046;
	[dreg:$0x1] =	wrdreg $0xFFFFFFFF  }
0xa7: {  	s28 =	simm.s32 $_size_execute0_lowered;
	s3 =	sadd.s32 s3, s5;
	[dreg:$0x0] =	wrdreg $0x0  }
0xa8: {  	s5 =	sshll.u32 s28, $0x1;
	[dreg:$0x2] =	wrdreg s3  }
0xa9: {  	[dreg:$0x3] =	wrdreg s5  }
0xaa: {  	[dreg:$0x4] =	wrdreg $0xC0  }
0xab: {  	_ =	task [dreg:s7], $0x5FFFF  }
0xac: {  	[dreg:$0x1] =	wrdreg $0xFFFFFFFF  }
0xad: {  	[dreg:$0x0] =	wrdreg $0x60  }
0xae: {  	[dreg:$0x2] =	wrdreg s2  }
0xaf: {  	[dreg:$0x3] =	wrdreg s24  }
0xb0: {  	[dreg:$0x4] =	wrdreg $0x64000  }
0xb1: {  	[dreg:$0x5] =	wrdreg $0x9  }
0xb2: {  	_ =	task.clear_ibuf [dreg:s7], $0x6FFFF;
	_ =	strace $0x90000046  }
0xb3: {  	s29 =	simm.s32 $0x9;
	_ =	strace $0x80000048  }
0xb4: {  	_ =	swait.ge [sflag:s29], $0x1  }
0xb5: {  	[sflag:s29] =	ssyncadd.s32 $0xFFFFFFFF  }
0xb6: {  	_ =	strace $0x90000048  }
0xb7: {  	_ =	sfence  }
0xb8: {  	s30 =	sld [smem:$0x0];
	_ =	sdelay $0x2  }
0xb9: {  	s31 =	sshll.u32 s1, $0xD;
	s1 =	sshrl.u32 s1, $0x2  }
0xba: {  	s3 =	sand.u32 $0x4000, s31;
	s1 =	sadd.s32 s1, s30  }
0xbb: {  	s0 =	sor.u32 s3, s0;
	s1 =	sshll.u32 s1, $0x11  }
0xbc: {  	s0 =	sor.u32 s1, s0  }
0xbd: {  	s0 =	sadd.s32 $0x8F2B, s0  }
0xbe: {  	[sflag:s0] =	ssyncadd.remote.s32 $0x1  }
0xbf: {  	_ =	sfence.sel $0xFFFF  }
0xc0: {  	[dreg:$0x0] =	wrdreg $0xFFFFFFFF;
	(pc) =	sbr.abs _section_cstart, $3  }
0xc1: {  	[dreg:$0x1] =	wrdreg $0xFFFFFFFF  }
0xc2: {  	_ =	task.clear_ibuf [dreg:s7], $0x2FFFF;
	_ =	strace $0x9FFFFFFF  }
0xc3: {  	(tm) =	ssettm $0x7FFFFFFF  }
tec
execute0_lowered:
.L_overlay_start_1:
0x0: {  	(tag) =	ssettag $0x1  }
0x1: {  	s0 =	rddreg [dreg:$0x0]  }
0x2: {  	s5 =	rddreg [dreg:$0x1]  }
0x3: {  	s1 =	rddreg [dreg:$0x2]  }
0x4: {  	s3 =	srdreg.scid;
	s2 =	simm.s32 $0x0;
	s7 =	stileid.u32  }
0x5: {  	s13 =	simm.s32 $0x68;
	s15 =	simm.s32 $0x60;
	s17 =	simm.s32 $0x2  }
0x6: {  	s20 =	simm.s32 $0x9;
	s21 =	simm.s32 $0x3;
	s28 =	simm.s32 $0x1C720  }
0x7: {  	s29 =	simm.s32 $0xB;
	s30 =	simm.s32 $0xC;
	s31 =	simm.s32 $0x5  }
0x8: {  	s6 =	sand.u32 $0x1, s3;
	[smem:$0x7FF] =	sst s2;
	s22 =	sshll.u32 s7, $0x8  }
0x9: {  	s23 =	sadd.s32 $0x800, s5;
	p0 =	sne.s32 s7, $0x0;
	s4 =	sshll.u32 s6, $0x7  }
0xa: {  	_ =	strace $0x80000047;
	s8 =	ssub.s32 $0x2, s6;
	[dreg:$0x4] =	wrdreg s23  }
0xb: {  	s6 =	sadd.s32 $0xF43400, s5;
	s23 =	simm.s32 $0x16320;
	s3 =	sor.u32 s4, s22  }
0xc: {  	s4 =	sadd.s32 $0x1000, s5;
	s10 =	sshrl.u32 s8, $0x1;
	s9 =	smul.u32 $0x6400, s3  }
0xd: {  	s22 =	simm.s32 $0x12F20;
	s11 =	smul.u32 $0x19, s3;
	s24 =	ssub.s32 s8, s10  }
0xe: {  	s8 =	sadd.s32 $0xFFFFFFFF, s3;
	s10 =	simm.s32 $0x0;
	s26 =	smax.u32 s24, $0x1  }
0xf: {  	s24 =	simm.s32 $0xA;
	s9 =	sshrl.u32 s9, $0x3;
	s0 =	sadd.s32 s0, s11  }
0x10: {  	[dreg:$0x6] =	wrdreg s26;
	s26 =	simm.s32 $0x19320;
	s25 =	sadd.s32 s6, s9  }
0x11: {  	[dreg:$0x5] =	wrdreg s0;
	s0 =	sshrl.u32 @!p0 s1, $0x3;
	s9 =	sadd.s32 $0x63380, s25  }
0x12: {  	[dreg:$0x7] =	wrdreg s0;
	s25 =	simm.s32 $0x4;
	s0 =	simm.s32 $0x6  }
.LBB2_1:
0x13: {  	[dreg:$0x8] =	wrdreg s10  }
0x14: {  	s7 =	rddreg [dreg:$0x4]  }
0x15: {  	s5 =	simm.s32 @!p0 $0x1C0D;
	s10 =	rddreg [dreg:$0x7]  }
0x16: {  	[spmem:s10], [sflag:s5] =	dma.local @!p0 [hbm:s7], $0x640  }
0x17: {  	s5 =	simm.s32 @!p0 $0xD  }
0x18: {  	_ =	swait.ge @!p0 [sflag:s5], $0x640  }
0x19: {  	[sflag:s5] =	ssyncset.done @!p0 $0x0  }
0x1a: {  	s19 =	simm.s32 $0xD;
	s18 =	rddreg [dreg:$0x5];
	[sflag:s5] =	ssyncadd.s32 @!p0 $0xFFFFF9C0  }
0x1b: {  	[tilespmem:s2], [sflag:$0xD] =	stream.linear.gather [hbm4b:s18+s2], $0x6400, $0x38;
	[tilespmem:$0x1F720] =	vst v63  }
0x1c: {  	_ =	swait.ge [sflag:s19], $0x6400  }
0x1d: {  	[sflag:s19] =	ssyncset.done $0x0  }
0x1e: {  	[sflag:s19] =	ssyncadd.s32 $0xFFFF9C00  }
0x1f: {  	s7 =	simm.s32 $0x0;
	s5 =	simm.s32 $0x6720;
	[bflag:$0x0] =	sbarrier.arrive $0xFFFF  }
.LBB2_2:
0x20: {  	p1 =	sne.s32 s7, $0xC700  }
.Ltmp0:
0x21: {  	_ = 	snop;
	(pc) =	sbr.rel @p1 .LBB2_2-.Ltmp0, $4  }
0x22: {  	s10 =	sshra.s32 s7, $0x2  }
0x23: {  	s10 =	sadd.s32 s10, s1  }
0x24: {  	[tilespmem:s5], [sflag:$0x1] =	stream.linear.gather [spmem:s10], $0x40, $0x38;
	[tilespmem:$0x1F720] =	vst v63  }
0x25: {  	s7 =	sadd.s32 $0x100, s7;
	s5 =	sadd.s32 $0x80, s5  }
0x26: {  	s11 =	simm.s32 $0x0  }
.LBB2_4:
0x27: {  	s5 =	simm.s32 $0x1  }
0x28: {  	s7 =	smul.u32 $0xC80, s11;
	p1 =	seq.s32 s11, $0x0;
	_ =	swait.ge [sflag:s5], $0x3200  }
.Ltmp1:
0x29: {  	[sflag:s5] =	ssyncset.done $0x0;
	(pc) =	sbr.rel @p1 .LBB2_8-.Ltmp1, $4  }
0x2a: {  	s18 =	simm.s32 $0x6720;
	s12 =	sshra.s32 s7, $0x2;
	[sflag:s5] =	ssyncadd.s32 $0xFFFFCE00  }
0x2b: {  	[tilespmem:s18], [sflag:$0x9] =	stream.indirect.gather.add.f32 [hbm:s4], $0x80, s12, s13, $0xb8;
	[tilespmem:$0x1F720] =	vst v63  }
0x2c: {  	s10 =	simm.s32 $0x9B20;
	s7 =	sshll.u32 s11, $0x2;
	s19 =	sadd.s32 $0x68, s12  }
0x2d: {  	[tilespmem:s10], [sflag:$0x9] =	stream.indirect.gather.add.f32 [hbm:s4], $0x80, s19, s15, $0xb8;
	[tilespmem:$0x1F720] =	vst v63  }
0x2e: {  	_ =	swait.ge [sflag:s30], $0x3400;
	s5 =	sadd.s32 s7, s8  }
0x2f: {  	[sflag:s30] =	ssyncset.done $0x0;
	s5 =	smul.u32 $0x6400, s5  }
0x30: {  	[sflag:s30] =	ssyncadd.s32 $0xFFFFCC00  }
0x31: {  	s10 =	simm.s32 $0x19320;
	_ =	swait.ge [sflag:s30], $0x3000;
	s5 =	sshrl.u32 s5, $0x3  }
0x32: {  	s14 =	simm.s32 $0x10;
	[sflag:s30] =	ssyncset.done $0x0;
	s5 =	sadd.s32 s6, s5  }
0x33: {  	s16 =	simm.s32 $0x193A0;
	[sflag:s30] =	ssyncadd.s32 $0xFFFFD000;
	s18 =	sadd.s32 $0x0, s5  }
.LBB2_6:
0x34: {  	[hbm4b:s18+s2] =	stream.linear.scatter [tilespmem:s10], [sflag:$0x8], $0x40, $0x38;
	[tilespmem:$0x1F720] =	vst v63  }
0x35: {  	s18 =	smov.u32 s14;
	s10 =	smov.u32 s16;
	p2 =	sne.s32 s14, $0xC70  }
.Ltmp2:
0x36: {  	s14 =	sadd.s32 $0x10, s14;
	(pc) =	sbr.rel @p2 .LBB2_6-.Ltmp2, $2  }
0x37: {  	_ =	sdelay $0x2  }
0x38: {  	s16 =	sadd.s32 $0x80, s16;
	s18 =	sadd.s32 s18, s5  }
0x39: {  	[hbm4b:s18+s2] =	stream.linear.scatter [tilespmem:s10], [sflag:$0x8], $0x40, $0x38;
	[tilespmem:$0x1F720] =	vst v63  }
0x3a: {  	_ =	swait.ge [sflag:s0], $0x3200  }
0x3b: {  	[sflag:s0] =	ssyncset.done $0x0  }
0x3c: {  	s5 =	sor.u32 $0x1, s7;
	[sflag:s0] =	ssyncadd.s32 $0xFFFFCE00  }
.LBB2_8:
0x3d: {  	s10 =	simm.s32 $0xCB20;
	s14 =	sadd.s32 $0x0, s1  }
0x3e: {  	[tilespmem:s10], [sflag:$0x2] =	stream.linear.gather [spmem:s14], $0x40, $0x38;
	[tilespmem:$0x1F720] =	vst v63  }
0x3f: {  	s14 =	simm.s32 $0x100  }
.LBB2_9:
0x40: {  	p2 =	sne.s32 s14, $0xC700  }
.Ltmp3:
0x41: {  	_ = 	snop;
	(pc) =	sbr.rel @p2 .LBB2_9-.Ltmp3, $4  }
0x42: {  	_ = 	snop  }
0x43: {  	s16 =	sshra.s32 s14, $0x2;
	s14 =	sadd.s32 $0x100, s14  }
0x44: {  	s10 =	sadd.s32 $0x80, s10;
	s16 =	sadd.s32 s16, s1  }
0x45: {  	[tilespmem:s10], [sflag:$0x2] =	stream.linear.gather [spmem:s16], $0x40, $0x38;
	[tilespmem:$0x1F720] =	vst v63  }
0x46: {  	_ =	swait.ge [sflag:s17], $0x3200;
	s10 =	smul.u32 $0x320, s5  }
0x47: {  	[sflag:s17] =	ssyncset.done $0x0  }
0x48: {  	s14 =	simm.s32 $0xCB20;
	[sflag:s17] =	ssyncadd.s32 $0xFFFFCE00;
	s10 =	sshra.s32 s10, $0x2  }
0x49: {  	[tilespmem:s14], [sflag:$0xA] =	stream.indirect.gather.add.f32 [hbm:s4], $0x80, s10, s13, $0xb8;
	[tilespmem:$0x1F720] =	vst v63  }
0x4a: {  	s18 =	simm.s32 $0xFF20;
	s10 =	sadd.s32 $0x68, s10  }
0x4b: {  	[tilespmem:s18], [sflag:$0xA] =	stream.indirect.gather.add.f32 [hbm:s4], $0x80, s10, s15, $0xb8;
	[tilespmem:$0x1F720] =	vst v63  }
0x4c: {  	_ =	swait.ge [sflag:s20], $0x3400  }
0x4d: {  	s19 =	sadd.s32 s3, s7;
	[sflag:s20] =	ssyncset.done $0x0  }
0x4e: {  	s10 =	smul.u32 $0xC80, s19;
	[sflag:s20] =	ssyncadd.s32 $0xFFFFCC00  }
0x4f: {  	s16 =	simm.s32 $0x10;
	_ =	swait.ge [sflag:s20], $0x3000  }
0x50: {  	s14 =	simm.s32 $0x6720;
	s10 =	sadd.s32 s6, s10;
	[sflag:s20] =	ssyncset.done $0x0  }
0x51: {  	s18 =	simm.s32 $0x67A0;
	s19 =	sadd.s32 $0x0, s10;
	[sflag:s20] =	ssyncadd.s32 $0xFFFFD000  }
.LBB2_11:
0x52: {  	[hbm4b:s19+s2] =	stream.linear.scatter [tilespmem:s14], [sflag:$0x5], $0x40, $0x38;
	[tilespmem:$0x1F720] =	vst v63  }
0x53: {  	s19 =	smov.u32 s16;
	s14 =	smov.u32 s18;
	p2 =	sne.s32 s16, $0xC70  }
.Ltmp4:
0x54: {  	s16 =	sadd.s32 $0x10, s16;
	(pc) =	sbr.rel @p2 .LBB2_11-.Ltmp4, $2  }
0x55: {  	_ =	sdelay $0x2  }
0x56: {  	s18 =	sadd.s32 $0x80, s18;
	s19 =	sadd.s32 s19, s10  }
0x57: {  	[hbm4b:s19+s2] =	stream.linear.scatter [tilespmem:s14], [sflag:$0x5], $0x40, $0x38;
	[tilespmem:$0x1F720] =	vst v63  }
0x58: {  	s10 =	simm.s32 @!p1 $0x7  }
0x59: {  	_ =	swait.ge @!p1 [sflag:s10], $0x3200  }
0x5a: {  	s19 =	sadd.s32 $0x0, s1;
	s7 =	sor.u32 $0x2, s7;
	[sflag:s10] =	ssyncset.done @!p1 $0x0  }
0x5b: {  	s14 =	simm.s32 $0x100;
	[sflag:s10] =	ssyncadd.s32 @!p1 $0xFFFFCE00;
	s10 =	simm.s32 $0x12F20  }
0x5c: {  	[tilespmem:s10], [sflag:$0x3] =	stream.linear.gather [spmem:s19], $0x40, $0x38;
	[tilespmem:$0x1F720] =	vst v63  }
.LBB2_13:
0x5d: {  	p2 =	sne.s32 s14, $0xC700  }
.Ltmp5:
0x5e: {  	_ = 	snop;
	(pc) =	sbr.rel @p2 .LBB2_13-.Ltmp5, $4  }
0x5f: {  	_ = 	snop  }
0x60: {  	s16 =	sshra.s32 s14, $0x2;
	s14 =	sadd.s32 $0x100, s14  }
0x61: {  	s10 =	sadd.s32 $0x80, s10;
	s16 =	sadd.s32 s16, s1  }
0x62: {  	[tilespmem:s10], [sflag:$0x3] =	stream.linear.gather [spmem:s16], $0x40, $0x38;
	[tilespmem:$0x1F720] =	vst v63  }
0x63: {  	_ =	swait.ge [sflag:s21], $0x3200;
	s10 =	smul.u32 $0x320, s7  }
0x64: {  	[sflag:s21] =	ssyncset.done $0x0  }
0x65: {  	[sflag:s21] =	ssyncadd.s32 $0xFFFFCE00;
	s10 =	sshra.s32 s10, $0x2  }
0x66: {  	[tilespmem:s22], [sflag:$0xB] =	stream.indirect.gather.add.f32 [hbm:s4], $0x80, s10, s13, $0xb8;
	[tilespmem:$0x1F720] =	vst v63  }
0x67: {  	s10 =	sadd.s32 $0x68, s10  }
0x68: {  	[tilespmem:s23], [sflag:$0xB] =	stream.indirect.gather.add.f32 [hbm:s4], $0x80, s10, s15, $0xb8;
	[tilespmem:$0x1F720] =	vst v63  }
0x69: {  	_ =	swait.ge [sflag:s24], $0x3400  }
0x6a: {  	s5 =	sadd.s32 s3, s5;
	[sflag:s24] =	ssyncset.done $0x0  }
0x6b: {  	s5 =	smul.u32 $0xC80, s5;
	[sflag:s24] =	ssyncadd.s32 $0xFFFFCC00  }
0x6c: {  	s14 =	simm.s32 $0x10;
	_ =	swait.ge [sflag:s24], $0x3000  }
0x6d: {  	s16 =	simm.s32 $0xCBA0;
	s5 =	sadd.s32 s6, s5;
	[sflag:s24] =	ssyncset.done $0x0  }
0x6e: {  	s18 =	sadd.s32 $0x0, s5;
	s10 =	simm.s32 $0xCB20;
	[sflag:s24] =	ssyncadd.s32 $0xFFFFD000  }
.LBB2_15:
0x6f: {  	[hbm4b:s18+s2] =	stream.linear.scatter [tilespmem:s10], [sflag:$0x6], $0x40, $0x38;
	[tilespmem:$0x1F720] =	vst v63  }
0x70: {  	s18 =	smov.u32 s14;
	s10 =	smov.u32 s16;
	p2 =	sne.s32 s14, $0xC70  }
.Ltmp6:
0x71: {  	s14 =	sadd.s32 $0x10, s14;
	(pc) =	sbr.rel @p2 .LBB2_15-.Ltmp6, $2  }
0x72: {  	_ =	sdelay $0x2  }
0x73: {  	s16 =	sadd.s32 $0x80, s16;
	s18 =	sadd.s32 s18, s5  }
0x74: {  	[hbm4b:s18+s2] =	stream.linear.scatter [tilespmem:s10], [sflag:$0x6], $0x40, $0x38;
	[tilespmem:$0x1F720] =	vst v63  }
0x75: {  	s5 =	simm.s32 @!p1 $0x8  }
0x76: {  	_ =	swait.ge @!p1 [sflag:s5], $0x3200  }
0x77: {  	s19 =	sadd.s32 $0x0, s1;
	[sflag:s5] =	ssyncset.done @!p1 $0x0  }
0x78: {  	s10 =	simm.s32 $0x100;
	[sflag:s5] =	ssyncadd.s32 @!p1 $0xFFFFCE00;
	s5 =	simm.s32 $0x19320  }
0x79: {  	[tilespmem:s5], [sflag:$0x4] =	stream.linear.gather [spmem:s19], $0x40, $0x38;
	[tilespmem:$0x1F720] =	vst v63  }
.LBB2_17:
0x7a: {  	p1 =	sne.s32 s10, $0xC700  }
.Ltmp7:
0x7b: {  	_ = 	snop;
	(pc) =	sbr.rel @p1 .LBB2_17-.Ltmp7, $4  }
0x7c: {  	_ = 	snop  }
0x7d: {  	s14 =	sshra.s32 s10, $0x2;
	s10 =	sadd.s32 $0x100, s10  }
0x7e: {  	s5 =	sadd.s32 $0x80, s5;
	s14 =	sadd.s32 s14, s1  }
0x7f: {  	[tilespmem:s5], [sflag:$0x4] =	stream.linear.gather [spmem:s14], $0x40, $0x38;
	[tilespmem:$0x1F720] =	vst v63  }
0x80: {  	_ =	swait.ge [sflag:s25], $0x3200  }
0x81: {  	[sflag:s25] =	ssyncset.done $0x0  }
0x82: {  	s5 =	sadd.s32 $0x258, s12;
	[sflag:s25] =	ssyncadd.s32 $0xFFFFCE00  }
0x83: {  	[tilespmem:s26], [sflag:$0xC] =	stream.indirect.gather.add.f32 [hbm:s4], $0x80, s5, s13, $0xb8;
	[tilespmem:$0x1F720] =	vst v63  }
0x84: {  	s18 =	sadd.s32 $0x2C0, s12  }
0x85: {  	[tilespmem:s28], [sflag:$0xC] =	stream.indirect.gather.add.f32 [hbm:s4], $0x80, s18, s15, $0xb8;
	[tilespmem:$0x1F720] =	vst v63  }
0x86: {  	_ =	swait.ge [sflag:s29], $0x3400  }
0x87: {  	s19 =	sadd.s32 s3, s7;
	[sflag:s29] =	ssyncset.done $0x0  }
0x88: {  	s5 =	smul.u32 $0xC80, s19;
	[sflag:s29] =	ssyncadd.s32 $0xFFFFCC00  }
0x89: {  	s7 =	simm.s32 $0x12F20;
	_ =	swait.ge [sflag:s29], $0x3000  }
0x8a: {  	s10 =	simm.s32 $0x10;
	s5 =	sadd.s32 s6, s5;
	[sflag:s29] =	ssyncset.done $0x0  }
0x8b: {  	s12 =	simm.s32 $0x12FA0;
	s14 =	sadd.s32 $0x0, s5;
	[sflag:s29] =	ssyncadd.s32 $0xFFFFD000  }
.LBB2_19:
0x8c: {  	[hbm4b:s14+s2] =	stream.linear.scatter [tilespmem:s7], [sflag:$0x7], $0x40, $0x38;
	[tilespmem:$0x1F720] =	vst v63  }
0x8d: {  	s14 =	smov.u32 s10;
	s7 =	smov.u32 s12;
	p1 =	sne.s32 s10, $0xC70  }
.Ltmp8:
0x8e: {  	s10 =	sadd.s32 $0x10, s10;
	(pc) =	sbr.rel @p1 .LBB2_19-.Ltmp8, $2  }
0x8f: {  	_ =	sdelay $0x2  }
0x90: {  	s12 =	sadd.s32 $0x80, s12;
	s14 =	sadd.s32 s14, s5  }
0x91: {  	p1 =	seq.s32 s11, $0x1F  }
.Ltmp9:
0x92: {  	_ = 	snop;
	(pc) =	sbr.rel @p1 .LBB2_24-.Ltmp9, $2  }
0x93: {  	_ =	sdelay $0x2  }
0x94: {  	[hbm4b:s14+s2] =	stream.linear.scatter [tilespmem:s7], [sflag:$0x7], $0x40, $0x38;
	[tilespmem:$0x1F720] =	vst v63  }
0x95: {  	_ =	swait.ge [sflag:s31], $0x3200  }
0x96: {  	[sflag:s31] =	ssyncset.done $0x0  }
0x97: {  	s5 =	simm.s32 $0x6720;
	s7 =	sadd.s32 $0x0, s1;
	[sflag:s31] =	ssyncadd.s32 $0xFFFFCE00  }
0x98: {  	[tilespmem:s5], [sflag:$0x1] =	stream.linear.gather [spmem:s7], $0x40, $0x38;
	[tilespmem:$0x1F720] =	vst v63  }
0x99: {  	s7 =	simm.s32 $0x100  }
.LBB2_22:
0x9a: {  	p1 =	sne.s32 s7, $0xC700  }
.Ltmp10:
0x9b: {  	_ = 	snop;
	(pc) =	sbr.rel @p1 .LBB2_22-.Ltmp10, $4  }
0x9c: {  	_ = 	snop  }
0x9d: {  	s10 =	sshra.s32 s7, $0x2;
	s7 =	sadd.s32 $0x100, s7  }
0x9e: {  	s5 =	sadd.s32 $0x80, s5;
	s10 =	sadd.s32 s10, s1  }
0x9f: {  	[tilespmem:s5], [sflag:$0x1] =	stream.linear.gather [spmem:s10], $0x40, $0x38;
	[tilespmem:$0x1F720] =	vst v63  }
.Ltmp11:
0xa0: {  	(pc) =	sbr.rel .LBB2_4-.Ltmp11, $2  }
0xa1: {  	_ =	sdelay $0x2  }
0xa2: {  	s11 =	sadd.s32 $0x1, s11  }
.LBB2_24:
0xa3: {  	_ =	swait.ge [sflag:s30], $0x3400  }
0xa4: {  	[sflag:s30] =	ssyncset.done $0x0  }
0xa5: {  	[sflag:s30] =	ssyncadd.s32 $0xFFFFCC00  }
0xa6: {  	_ =	swait.ge [sflag:s30], $0x3000  }
0xa7: {  	s5 =	simm.s32 $0x19320;
	s7 =	simm.s32 $0x10;
	[sflag:s30] =	ssyncset.done $0x0  }
0xa8: {  	s11 =	sadd.s32 $0x0, s9;
	s10 =	simm.s32 $0x193A0;
	[sflag:s30] =	ssyncadd.s32 $0xFFFFD000  }
.LBB2_25:
0xa9: {  	[hbm4b:s11+s2] =	stream.linear.scatter [tilespmem:s5], [sflag:$0x8], $0x40, $0x38;
	[tilespmem:$0x1F720] =	vst v63  }
0xaa: {  	s11 =	smov.u32 s7;
	s5 =	smov.u32 s10;
	p1 =	sne.s32 s7, $0xC70  }
.Ltmp12:
0xab: {  	s7 =	sadd.s32 $0x10, s7;
	(pc) =	sbr.rel @p1 .LBB2_25-.Ltmp12, $2  }
0xac: {  	_ =	sdelay $0x2  }
0xad: {  	s10 =	sadd.s32 $0x80, s10;
	s11 =	sadd.s32 s11, s9  }
0xae: {  	[hbm4b:s11+s2] =	stream.linear.scatter [tilespmem:s5], [sflag:$0x8], $0x40, $0x38;
	[tilespmem:$0x1F720] =	vst v63  }
0xaf: {  	_ =	swait.ge [sflag:s31], $0x3200  }
0xb0: {  	[sflag:s31] =	ssyncset.done $0x0  }
0xb1: {  	[sflag:s31] =	ssyncadd.s32 $0xFFFFCE00  }
0xb2: {  	_ =	swait.ge [sflag:s0], $0x3200  }
0xb3: {  	[sflag:s0] =	ssyncset.done $0x0  }
0xb4: {  	s18 =	simm.s32 $0x7;
	[sflag:s0] =	ssyncadd.s32 $0xFFFFCE00  }
0xb5: {  	_ =	swait.ge [sflag:s18], $0x3200  }
0xb6: {  	[sflag:s18] =	ssyncset.done $0x0  }
0xb7: {  	s7 =	simm.s32 $0x8;
	[sflag:s18] =	ssyncadd.s32 $0xFFFFCE00  }
0xb8: {  	_ =	swait.ge [sflag:s7], $0x3200  }
0xb9: {  	s10 =	rddreg [dreg:$0x8]  }
0xba: {  	s19 =	rddreg [dreg:$0x6];
	s10 =	sadd.s32 $0x1, s10  }
0xbb: {  	p1 =	sne.s32 s10, s19  }
.Ltmp13:
0xbc: {  	_ = 	snop;
	(pc) =	sbr.rel @p1 .LBB2_1-.Ltmp13, $3  }
0xbd: {  	_ =	sdelay $0x1  }
0xbe: {  	[sflag:s7] =	ssyncset.done $0x0  }
0xbf: {  	[sflag:s7] =	ssyncadd.s32 $0xFFFFCE00  }
0xc0: {  	_ =	sfence.sel $0x180000  }
0xc1: {  	[bflag:$0x0] =	sbarrier.arrive $0xFFFF  }
0xc2: {  	_ =	strace $0x90000047  }
0xc3: {  	[bflag:$0x2] =	sbarrier.arrive $0xFFFF  }
0xc4: {  	s0 =	rddreg [dreg:$0x3]  }
0xc5: {  	s0 =	sadd.s32 @!p0 $0x100000, s0  }
0xc6: {  	[sflag:s0] =	ssyncadd.tile.s32 @!p0 $0x1;
	_ =	shalt  }
.Lfunc_end2:
_tile_overlayer_lowered:
.L_overlay_start_2:
0xc7: {  	(tag) =	ssettag $0x2  }
0xc8: {  	s0 =	rddreg [dreg:$0x0];
	s2 =	stileid.u32  }
0xc9: {  	s1 =	rddreg [dreg:$0x1];
	p0 =	sne.s32 s2, $0x0  }
0xca: {  	s3 =	rddreg [dreg:$0x2];
	[bflag:$0x3] =	sbarrier.arrive $0xFFFF;
	s2 =	simm.s32 @!p0 $0x1C0D  }
0xcb: {  	[timem:s3], [sflag:s2] =	dma.local @!p0 [hbm:s0], s1  }
0xcc: {  	s0 =	simm.s32 @!p0 $0xD  }
0xcd: {  	_ =	swait.ge @!p0 [sflag:s0], s1  }
0xce: {  	s1 =	ssub.s32 @!p0 $0x0, s1;
	[sflag:s0] =	ssyncset.done @!p0 $0x0  }
0xcf: {  	[sflag:s0] =	ssyncadd.s32 @!p0 s1  }
0xd0: {  	[bflag:$0x3] =	sbarrier.arrive $0xFFFF  }
0xd1: {  	_ =	shalt  }

// kernel: sparse-core-data-format-call.cloned.1.call-start
scs
called_computation_lowered:
.L_overlay_start_0:
0x0: {  	s2 =	sld [smem:$0x3FD9]  }
0x1: {  	s3 =	sld [smem:$0x3FFE];
	_ =	sdelay $0x1  }
0x2: {  	s1 =	srdreg.scid  }
0x3: {  	s0 =	sand.u32 $0x1, s1  }
0x4: {  	s18 =	sshll.u32 s0, $0xA;
	s2 =	sadd.s32 s3, s2  }
0x5: {  	s2 =	sadd.s32 s2, s18  }
0x6: {  	[smem:$0x3FC5] =	sst s2  }
0x7: {  	_ = 	snop  }
0x8: {  	s2 =	sld [smem:$0x3FD0];
	(tm) =	ssettm $0x1  }
0x9: {  	s19 =	sld [smem:$0x3FFB];
	_ =	sdelay $0x3  }
0xa: {  	_ =	strace s19  }
0xb: {  	s3 =	sld [smem:$0x3FFC];
	_ =	sdelay $0x3  }
0xc: {  	_ =	strace s3  }
0xd: {  	s3 =	sld [smem:$0x3FFD];
	_ =	sdelay $0x3  }
0xe: {  	_ =	strace s3  }
0xf: {  	_ =	strace $0x8FFFFFFF  }
0x10: {  	s20 =	sld [smem:$0x3FDB];
	_ =	sdelay $0x1  }
0x11: {  	s4 =	simm.s32 $_scs_section_size  }
0x12: {  	s5 =	simm.s32 $_size__tile_overlayer_lowered;
	s6 =	simm.s32 $_tile_overlayer_lowered  }
0x13: {  	s23 =	simm.s32 $0x1BFF;
	s22 =	sshll.u32 s6, $0x1;
	s3 =	sadd.s32 s4, s20  }
0x14: {  	s7 =	simm.s32 $0x0;
	s21 =	sshll.u32 s5, $0x1;
	s5 =	sadd.s32 s22, s3  }
0x15: {  	[timem:s7], [sflag:s23] =	dma.local [hbm:s5], s21  }
0x16: {  	_ =	swait.ge [sflag:s23], s21  }
0x17: {  	s4 =	ssub.s32 $0x0, s21;
	[sflag:s23] =	ssyncset.done $0x0  }
0x18: {  	[sflag:s23] =	ssyncadd.s32 s4;
	_ =	sdelay $0x1  }
0x19: {  	s24 =	simm.s32 $0x1B8B  }
0x1a: {  	_ =	swait.ge [sflag:s24], $0x1  }
0x1b: {  	[sflag:s24] =	ssyncset.done $0x0  }
0x1c: {  	s26 =	simm.s32 $0x1B8E;
	s25 =	sld [smem:$0x3FFE];
	[sflag:s24] =	ssyncadd.s32 $0xFFFFFFFF  }
0x1d: {  	s27 =	simm.s32 $execute0_lowered;
	[smem:$0x3FD2] =	sst s26  }
0x1e: {  	s5 =	sshll.u32 s27, $0x1;
	_ =	strace $0x80000049;
	[dreg:$0x1] =	wrdreg $0xFFFFFFFF  }
0x1f: {  	s28 =	simm.s32 $_size_execute0_lowered;
	s3 =	sadd.s32 s3, s5;
	[dreg:$0x0] =	wrdreg $0x0  }
0x20: {  	s5 =	sshll.u32 s28, $0x1;
	[dreg:$0x2] =	wrdreg s3  }
0x21: {  	[dreg:$0x3] =	wrdreg s5  }
0x22: {  	[dreg:$0x4] =	wrdreg $0xC0  }
0x23: {  	_ =	task [dreg:s7], $0x5FFFF  }
0x24: {  	[dreg:$0x1] =	wrdreg $0xFFFFFFFF  }
0x25: {  	[dreg:$0x0] =	wrdreg $0x60  }
0x26: {  	[dreg:$0x2] =	wrdreg s25  }
0x27: {  	[dreg:$0x3] =	wrdreg s2  }
0x28: {  	[dreg:$0x4] =	wrdreg $0x9  }
0x29: {  	_ =	task.clear_ibuf [dreg:s7], $0x5FFFF;
	_ =	strace $0x90000049  }
0x2a: {  	s29 =	simm.s32 $0x9;
	_ =	strace $0x8000004B  }
0x2b: {  	_ =	swait.ge [sflag:s29], $0x1  }
0x2c: {  	[sflag:s29] =	ssyncadd.s32 $0xFFFFFFFF  }
0x2d: {  	_ =	strace $0x9000004B  }
0x2e: {  	_ =	sfence  }
0x2f: {  	s30 =	sld [smem:$0x0];
	_ =	sdelay $0x2  }
0x30: {  	s31 =	sshll.u32 s1, $0xD;
	s1 =	sshrl.u32 s1, $0x2  }
0x31: {  	s3 =	sand.u32 $0x4000, s31;
	s1 =	sadd.s32 s1, s30  }
0x32: {  	s0 =	sor.u32 s3, s0;
	s1 =	sshll.u32 s1, $0x11  }
0x33: {  	s0 =	sor.u32 s1, s0  }
0x34: {  	s0 =	sadd.s32 $0x8F2B, s0  }
0x35: {  	[sflag:s0] =	ssyncadd.remote.s32 $0x1  }
0x36: {  	_ =	sfence.sel $0xFFFF  }
0x37: {  	[dreg:$0x0] =	wrdreg $0xFFFFFFFF;
	(pc) =	sbr.abs _section_cstart, $3  }
0x38: {  	[dreg:$0x1] =	wrdreg $0xFFFFFFFF  }
0x39: {  	_ =	task.clear_ibuf [dreg:s7], $0x2FFFF;
	_ =	strace $0x9FFFFFFF  }
0x3a: {  	(tm) =	ssettm $0x7FFFFFFF  }
0x3b: {  	_ =	shalt  }
tec
execute0_lowered:
.L_overlay_start_1:
0x0: {  	(tag) =	ssettag $0x1  }
0x1: {  	s0 =	srdreg.scid  }
0x2: {  	s1 =	sshll.u32 s0, $0x4  }
0x3: {  	s0 =	stileid.u32;
	s1 =	sand.u32 $0x10, s1  }
0x4: {  	s1 =	sor.u32 s0, s1  }
0x5: {  	s6 =	rddreg [dreg:$0x0];
	s4 =	simm.s32 $0x1;
	s2 =	sshll.u32 s1, $0x7  }
0x6: {  	s7 =	simm.s32 $0x2;
	s12 =	simm.s32 $0x0;
	s1 =	ssub.s32 $0x1000, s2  }
0x7: {  	s8 =	simm.s32 $0x8000;
	s13 =	simm.s32 $0x0;
	s3 =	sand.u32 $0xF80, s1  }
0x8: {  	s9 =	simm.s32 $0x0;
	s5 =	sshrl.u32 s1, $0xC;
	p0 =	sne.s32 s3, $0x0  }
.Ltmp0:
0x9: {  	s1 =	rddreg [dreg:$0x2];
	s4 =	simm.s32 @!p0 $0x0;
	(pc) =	sbr.rel .LBB1_1-.Ltmp0, $4  }
0xa: {  	s11 =	simm.s32 $0x0;
	s3 =	rddreg [dreg:$0x1];
	s5 =	sadd.s32 s4, s5  }
0xb: {  	_ =	strace $0x8000004A;
	s4 =	simm.s32 $0x1;
	s5 =	smul.u32 $0xC8, s5  }
0xc: {  	s6 =	sadd.s32 $0xF43400, s6;
	s10 =	smov.u32 s2;
	[sflag:s4] =	ssyncpa.u1 $0x0  }
0xd: {  	p0 =	por $0x0, $0x0;
	[sflag:s7] =	ssyncpa.u1 $0x0;
	s7 =	sor.u32 $0x1, s5  }
.LBB1_4:
0xe: {  	s16 =	sshll.u32 s13, $0x3;
	s17 =	sand.u32 $0x78, s13  }
0xf: {  	s30 =	sand.u32 $0x7E00, s13;
	s12 =	sshll.u32 s12, $0xF;
	s16 =	sand.u32 $0xC00, s16  }
0x10: {  	[tilespmem:s15+$0x810 ss:$0x81] =	vst.msk $0xffff, v2;
	s31 =	sand.u32 $0x7, s13;
	s16 =	sor.u32 s17, s16;
	s17 =	sadd.s32 s3, s30  }
0x11: {  	[tilespmem:s15+$0x1020 ss:$0x81] =	vst.msk $0xffff, v0;
	s13 =	sshll.u32 s31, $0x12;
	s12 =	sadd.s32 s12, s17;
	s16 =	sshrl.u32 s16, $0x3  }
0x12: {  	[tilespmem:s15+$0x0 ss:$0x81] =	vst.msk $0xffff, v1;
	s13 =	sor.u32 $0x400, s13;
	s12 =	sadd.s32 s16, s12  }
0x13: {  	[hbm4b:s12+s13] =	stream.strided.scatter [tilespmem:s14], [sflag:$0x2], $0x2000, s8, s13, $0x20;
	[tilespmem:$0x8080] =	vst v63  }
.LBB1_5:
0x14: {  	s14 =	sadd.s32 $0x1, s9  }
0x15: {  	s12 =	sadd.s32 $0x1000, s10;
	s16 =	smov.u32 s10;
	p2 =	sgt.s32 s14, $0xC7  }
0x16: {  	s16 =	smov.u32 @p2 s12  }
0x17: {  	s14 =	simm.s32 @p2 $0x0;
	p2 =	sgt.s32 s16, $0xFFF  }
0x18: {  	s16 =	smov.u32 @p2 s2;
	p2 =	sne.s32 s11, s7  }
.Ltmp1:
0x19: {  	p1 =	slt.u32 s11, $0x2;
	(pc) =	sbr.rel @!p2 .LBB1_6-.Ltmp1, $4  }
0x1a: {  	s15 =	simm.s32 @!p1 $0x2  }
0x1b: {  	s13 =	smov.u32 s10;
	p0 =	por !p0, !p0;
	_ =	swait.ge @!p1 [sflag:s15], $0x2000  }
0x1c: {  	s12 =	smov.u32 s9;
	[sflag:s15] =	ssyncset.done @!p1 $0x0;
	s9 =	smov.u32 s14  }
0x1d: {  	s11 =	sadd.s32 $0x1, s11;
	[sflag:s15] =	ssyncadd.s32 @!p1 $0xFFFFE000;
	s10 =	smov.u32 s16  }
.LBB1_1:
0x1e: {  	p1 =	sge.u32 s11, s5  }
0x1f: {  	s14 =	sand.u32 @!p1 $0x1FFFFFF, s9  }
0x20: {  	s15 =	smulhi.u32 @!p1 $0x147AE15, s14;
	_ =	sdelay $0x1  }
0x21: {  	s15 =	smul.u32 @!p1 $0xC8, s15  }
0x22: {  	s16 =	sxor.u32 @!p1 $0xFFFFFFFF, s11;
	s17 =	smul.u32 @!p1 $0xC80, s10  }
0x23: {  	s31 =	sadd.s32 $0xFFFFFFFF, s11;
	s16 =	sshll.u32 @!p1 s16, $0xD;
	s14 =	ssub.s32 @!p1 s14, s15  }
0x24: {  	s15 =	sand.u32 @!p1 $0x2000, s16;
	s16 =	sadd.s32 @!p1 s6, s17;
	s14 =	sshll.u32 @!p1 s14, $0x4  }
0x25: {  	s17 =	simm.s32 @!p1 $0x6400;
	s14 =	sadd.s32 @!p1 s14, s16;
	s16 =	simm.s32 @!p1 $0x40  }
0x26: {  	[tilespmem:s15], [sflag:$0x1] =	stream.strided.gather @!p1 [hbm4b:s14+s16], $0x2000, s17, s16, $0x38;
	[tilespmem:$0x8080] =	vst v63  }
0x27: {  	p1 =	sge.u32 s31, s5  }
.Ltmp2:
0x28: {  	_ = 	snop;
	(pc) =	sbr.rel @p1 .LBB1_5-.Ltmp2, $1  }
0x29: {  	_ =	sdelay $0x3  }
0x2a: {  	s14 =	simm.s32 $0x1  }
0x2b: {  	_ =	swait.ge [sflag:s4], $0x2000;
	s14 =	simm.s32 @!p0 $0x0  }
0x2c: {  	[sflag:s4] =	ssyncset.done $0x0;
	s15 =	sshll.u32 s14, $0xD  }
0x2d: {  	[sflag:s4] =	ssyncadd.s32 $0xFFFFE000;
	s18 =	sor.u32 $0x20, s15  }
0x2e: {  	s14 =	smul.u32 $0x8100, s14;
	v3 =	vld [tilespmem:s18+$0x10]  }
0x2f: {  	s30 =	sand.u32 $0x1, s11;
	v2 =	vld [tilespmem:s18+$0xFFFFFFF0]  }
0x30: {  	s15 =	smul.u32 $0x8100, s30;
	s14 =	sshrl.u32 s14, $0x2;
	v0 =	vld [tilespmem:s18+$0x0]  }
0x31: {  	v1 =	vld [tilespmem:s18+$0xFFFFFFE0];
	s16 =	sor.u32 $0x4000, s14  }
0x32: {  	s31 =	sshrl.u32 s15, $0x2;
	s15 =	sadd.s32 $0x0, s16  }
0x33: {  	s17 =	simm.s32 $0x4;
	s18 =	sadd.s32 $0x40, s18;
	s14 =	sor.u32 $0x4000, s31;
	[tilespmem:s15+$0x1830 ss:$0x81] =	vst.msk $0xffff, v3  }
.LBB1_3:
0x34: {  	v3 =	vld [tilespmem:s18+$0x10];
	p1 =	sne.s32 s17, $0x1FC;
	[tilespmem:s15+$0x810 ss:$0x81] =	vst.msk $0xffff, v2;
	s19 =	smov.u32 s17;
	s17 =	sadd.s32 $0x4, s17  }
.Ltmp3:
0x35: {  	v2 =	vld [tilespmem:s18+$0xFFFFFFF0];
	[tilespmem:s15+$0x1020 ss:$0x81] =	vst.msk $0xffff, v0;
	(pc) =	sbr.rel @p1 .LBB1_3-.Ltmp3, $4  }
0x36: {  	v0 =	vld [tilespmem:s18+$0x0];
	[tilespmem:s15+$0x0 ss:$0x81] =	vst.msk $0xffff, v1  }
0x37: {  	s15 =	sshra.s32 s19, $0x2;
	v1 =	vld [tilespmem:s18+$0xFFFFFFE0]  }
0x38: {  	s15 =	sadd.s32 s15, s16  }
0x39: {  	s18 =	sadd.s32 $0x40, s18;
	[tilespmem:s15+$0x1830 ss:$0x81] =	vst.msk $0xffff, v3  }
.Ltmp4:
0x3a: {  	_ = 	snop;
	(pc) =	sbr.rel .LBB1_4-.Ltmp4, $1  }
0x3b: {  	_ =	sdelay $0x3  }
.LBB1_6:
0x3c: {  	_ =	sfence.sel $0x180000  }
0x3d: {  	s2 =	simm.s32 $0x1;
	[bflag:$0x0] =	sbarrier.arrive $0xFFFF  }
0x3e: {  	s31 =	simm.s32 $0x2;
	[sflag:s2] =	ssyncpa.u1 $0x1  }
0x3f: {  	[sflag:s31] =	ssyncpa.u1 $0x1  }
0x40: {  	p0 =	sne.s32 s0, $0x0;
	_ =	strace $0x9000004A  }
0x41: {  	s0 =	sadd.s32 @!p0 $0x100000, s1;
	[bflag:$0x2] =	sbarrier.arrive $0xFFFF  }
0x42: {  	[sflag:s0] =	ssyncadd.tile.s32 @!p0 $0x1;
	_ =	shalt  }
.Lfunc_end1:
_tile_overlayer_lowered:
.L_overlay_start_2:
0x43: {  	(tag) =	ssettag $0x2  }
0x44: {  	s0 =	rddreg [dreg:$0x0];
	s2 =	stileid.u32  }
0x45: {  	s1 =	rddreg [dreg:$0x1];
	p0 =	sne.s32 s2, $0x0  }
0x46: {  	s3 =	rddreg [dreg:$0x2];
	[bflag:$0x3] =	sbarrier.arrive $0xFFFF;
	s2 =	simm.s32 @!p0 $0x1C01  }
0x47: {  	[timem:s3], [sflag:s2] =	dma.local @!p0 [hbm:s0], s1  }
0x48: {  	s0 =	simm.s32 @!p0 $0x1  }
0x49: {  	_ =	swait.ge @!p0 [sflag:s0], s1  }
0x4a: {  	s1 =	ssub.s32 @!p0 $0x0, s1;
	[sflag:s0] =	ssyncset.done @!p0 $0x0  }
0x4b: {  	[sflag:s0] =	ssyncadd.s32 @!p0 s1  }
0x4c: {  	[bflag:$0x3] =	sbarrier.arrive $0xFFFF  }
0x4d: {  	_ =	shalt  }

</sc_bundles>
